<compile_context>
chip_gen: v7x
topology: tpu7x:2x2x1
jax: 0.10.2.dev20260603
libtpu: 0.0.44.dev20260713+nightly
codegen_flags: <defaults>
</compile_context>

<pallas_src>
import jax
import jax.numpy as jnp
from jax import lax
from jax.experimental import pallas as pl
from jax.experimental.pallas import tpu as pltpu
from jax.experimental.pallas import tpu_sc as plsc

F32 = jnp.float32


def _rup(v, m):
    return (v + m - 1) // m * m


def kernel(x, edge_index, conv1_W, conv1_b, conv2_W, conv2_b, conv3_W, conv3_b,
           conv4_W, conv4_b, bn1_g, bn1_b, bn2_g, bn2_b, bn3_g, bn3_b,
           lin_W, lin_b):
    N = x.shape[0]
    E = edge_index.shape[1]
    H = conv1_W.shape[2]
    HW = H // 2
    RPT = _rup(-(-N // 16), 8)
    NP = 16 * RPT
    C = 400
    EPT = E // 16
    assert EPT % C == 0 and C % 8 == 0

    mesh = plsc.VectorSubcoreMesh(core_axis_name="c", subcore_axis_name="s")


    NCH = EPT // C
    assert NCH % 2 == 1
    NPAIR = (NCH - 1) // 2

    def _sc_prop():
        def body(eidx_hbm, flg_hbm, u0_hbm, u1_hbm, zer_hbm, o0_hbm, o1_hbm,
                 eb0, eb1, rows0, rows1, acc, fv, sem0, sem1):
            c = lax.axis_index("c")
            s = lax.axis_index("s")
            r0 = s * RPT
            base0 = s * EPT
            pltpu.sync_copy(flg_hbm, fv)
            rsel = fv[...][0]

            def run(u_hbm, o_hbm):
                pltpu.sync_copy(zer_hbm, acc.at[pl.ds(r0, RPT), :])
                plsc.subcore_barrier()

                def load_idx(k, eb):
                    pltpu.sync_copy(
                        eidx_hbm.at[:, pl.ds(base0 + k * C, C)], eb)

                    @pl.when(rsel == 0)
                    def _():
                        pltpu.sync_copy(
                            eidx_hbm.at[0, pl.ds(base0 + k * C, C)], eb.at[1])

                def gather(eb, rows, sem):
                    pltpu.async_copy(u_hbm.at[eb.at[0]], rows, sem)

                def gwait(eb, rows, sem):
                    pltpu.make_async_copy(u_hbm.at[eb.at[0]], rows, sem).wait()

                def scatter(eb, rows):
                    pltpu.sync_copy(rows, acc.at[eb.at[1]], add=True)

                load_idx(0, eb0)
                gather(eb0, rows0, sem0)
                load_idx(1, eb1)

                def pair(i, carry):
                    a = 2 * i + 1
                    gather(eb1, rows1, sem1)
                    gwait(eb0, rows0, sem0)
                    scatter(eb0, rows0)
                    load_idx(a + 1, eb0)
                    gather(eb0, rows0, sem0)
                    gwait(eb1, rows1, sem1)
                    scatter(eb1, rows1)

                    @pl.when(a + 2 < NCH)
                    def _():
                        load_idx(a + 2, eb1)

                    return carry

                lax.fori_loop(0, NPAIR, pair, 0)
                gwait(eb0, rows0, sem0)
                scatter(eb0, rows0)
                plsc.subcore_barrier()
                pltpu.sync_copy(acc.at[pl.ds(r0, RPT), :],
                                o_hbm.at[pl.ds(r0, RPT), :])

            @pl.when(c == 0)
            def _():
                run(u0_hbm, o0_hbm)

            @pl.when(c == 1)
            def _():
                run(u1_hbm, o1_hbm)

        return pl.kernel(
            body,
            out_type=[jax.ShapeDtypeStruct((NP, HW), F32)] * 2,
            mesh=mesh,
            compiler_params=pltpu.CompilerParams(use_tc_tiling_on_sc=False),
            scratch_types=[
                pltpu.VMEM((2, C), jnp.int32),
                pltpu.VMEM((2, C), jnp.int32),
                pltpu.VMEM((C, HW), F32),
                pltpu.VMEM((C, HW), F32),
                pltpu.VMEM_SHARED((NP, HW), F32),
                pltpu.VMEM((16,), jnp.int32),
                pltpu.SemaphoreType.DMA,
                pltpu.SemaphoreType.DMA,
            ],
        )


    def _rows(ncols):
        return pl.BlockSpec((RPT, ncols), lambda i: (i, 0))

    def _bcast(shape):
        return pl.BlockSpec(shape, lambda i: tuple(0 for _ in shape))

    def _call(body, in_specs, out_specs, out_shape):
        return pl.pallas_call(body, grid=(16,), in_specs=in_specs,
                              out_specs=out_specs, out_shape=out_shape)

    def _zn(z_ref, st_ref, g_ref, bb_ref):
        stv = st_ref[...]
        m = stv[0:1, :] / N
        v = stv[1:2, :] / N - m * m
        rstd = lax.rsqrt(v + 1e-5)
        return (z_ref[...] - m) * rstd * g_ref[...] + bb_ref[...]

    def _stats(i, z, st_ref):
        gid = i * RPT + lax.broadcasted_iota(jnp.int32, (RPT, 1), 0)
        zm = jnp.where(gid < N, z, 0.0)
        ssum = jnp.sum(zm, axis=0, keepdims=True)
        ssq = jnp.sum(zm * zm, axis=0, keepdims=True)
        upd = jnp.concatenate([ssum, ssq, jnp.zeros((6, H), F32)], axis=0)

        @pl.when(i == 0)
        def _():
            st_ref[...] = jnp.zeros((8, H), F32)

        st_ref[...] += upd

    def tc0(o0, xin):
        def body(o0_ref, x_ref, dis_o, u_o):
            deg = o0_ref[:, 0:1]
            dis = jnp.where(deg > 0, lax.rsqrt(jnp.maximum(deg, 1.0)), 0.0)
            dis_o[...] = dis
            ux = dis * x_ref[...]
            u_o[...] = jnp.concatenate(
                [ux, jnp.zeros((RPT, HW - 3), F32)], axis=1)

        return _call(body, [_rows(HW), _rows(3)],
                     [_rows(1), _rows(HW)],
                     [jax.ShapeDtypeStruct((NP, 1), F32),
                      jax.ShapeDtypeStruct((NP, HW), F32)])(o0, xin)

    def tc_m1(o0, dis):
        def body(o0_ref, dis_ref, u_o):
            w = -(dis_ref[...] * dis_ref[...])
            u_o[...] = w * o0_ref[...]

        return _call(body, [_rows(HW), _rows(1)], [_rows(HW)],
                     [jax.ShapeDtypeStruct((NP, HW), F32)])(o0, dis)[0]

    def tc_b1(xin, a0, q0, dis, W, b):
        def body(x_ref, a0_ref, q0_ref, dis_ref, w_ref, b_ref, z_o, st_o):
            i = pl.program_id(0)
            xb = x_ref[...]
            dis_ = dis_ref[...]
            t1 = -dis_ * a0_ref[:, :3]
            t2 = -2.0 * dis_ * q0_ref[:, :3] - xb
            Wm = w_ref[...]
            z = (jnp.dot(xb, Wm[0], preferred_element_type=F32)
                 + jnp.dot(t1, Wm[1], preferred_element_type=F32)
                 + jnp.dot(t2, Wm[2], preferred_element_type=F32)
                 + b_ref[...])
            z = jnp.where(z > 0, z, 0.01 * z)
            z_o[...] = z
            _stats(i, z, st_o)

        return _call(body,
                     [_rows(3), _rows(HW), _rows(HW), _rows(1),
                      _bcast((3, 3, H)), _bcast((1, H))],
                     [_rows(H), _bcast((8, H))],
                     [jax.ShapeDtypeStruct((NP, H), F32),
                      jax.ShapeDtypeStruct((8, H), F32)])(
                         xin, a0, q0, dis, W, b)

    def tc_a(z, st, g, bb, dis):
        def body(z_ref, st_ref, g_ref, bb_ref, dis_ref, u0_o, u1_o):
            zn = _zn(z_ref, st_ref, g_ref, bb_ref)
            un = dis_ref[...] * zn
            u0_o[...] = un[:, :HW]
            u1_o[...] = un[:, HW:]

        return _call(body,
                     [_rows(H), _bcast((8, H)), _bcast((1, H)), _bcast((1, H)),
                      _rows(1)],
                     [_rows(HW), _rows(HW)],
                     [jax.ShapeDtypeStruct((NP, HW), F32)] * 2)(
                         z, st, g, bb, dis)

    def tc_m(c0, c1, dis):
        def body(c0_ref, c1_ref, dis_ref, o0_ref, o1_ref):
            w = -(dis_ref[...] * dis_ref[...])
            o0_ref[...] = w * c0_ref[...]
            o1_ref[...] = w * c1_ref[...]

        return _call(body, [_rows(HW), _rows(HW), _rows(1)],
                     [_rows(HW), _rows(HW)],
                     [jax.ShapeDtypeStruct((NP, HW), F32)] * 2)(c0, c1, dis)

    def tc_b(z, st, g, bb, c0, c1, d0, d1, dis, W, b, leaky):
        def body(z_ref, st_ref, g_ref, bb_ref, c0_ref, c1_ref, d0_ref, d1_ref,
                 dis_ref, w_ref, b_ref, z_o, st_o):
            i = pl.program_id(0)
            zn = _zn(z_ref, st_ref, g_ref, bb_ref)
            dis_ = dis_ref[...]
            a1 = jnp.concatenate([c0_ref[...], c1_ref[...]], axis=1)
            a2 = jnp.concatenate([d0_ref[...], d1_ref[...]], axis=1)
            t1 = -dis_ * a1
            t2 = -2.0 * dis_ * a2 - zn
            Wm = w_ref[...]
            zz = (jnp.dot(zn, Wm[0], preferred_element_type=F32)
                  + jnp.dot(t1, Wm[1], preferred_element_type=F32)
                  + jnp.dot(t2, Wm[2], preferred_element_type=F32)
                  + b_ref[...])
            if leaky:
                zz = jnp.where(zz > 0, zz, 0.01 * zz)
            else:
                zz = jnp.maximum(zz, 0.0)
            z_o[...] = zz
            _stats(i, zz, st_o)

        return _call(body,
                     [_rows(H), _bcast((8, H)), _bcast((1, H)), _bcast((1, H)),
                      _rows(HW), _rows(HW), _rows(HW), _rows(HW),
                      _rows(1), _bcast((3, H, H)), _bcast((1, H))],
                     [_rows(H), _bcast((8, H))],
                     [jax.ShapeDtypeStruct((NP, H), F32),
                      jax.ShapeDtypeStruct((8, H), F32)])(
                         z, st, g, bb, c0, c1, d0, d1, dis, W, b)

    def tc_b4(z, st, g, bb, c0, c1, d0, d1, dis, W, b, lw, lb):
        def body(z_ref, st_ref, g_ref, bb_ref, c0_ref, c1_ref, d0_ref, d1_ref,
                 dis_ref, w_ref, b_ref, lw_ref, lb_ref, out_o):
            zn = _zn(z_ref, st_ref, g_ref, bb_ref)
            dis_ = dis_ref[...]
            a1 = jnp.concatenate([c0_ref[...], c1_ref[...]], axis=1)
            a2 = jnp.concatenate([d0_ref[...], d1_ref[...]], axis=1)
            t1 = -dis_ * a1
            t2 = -2.0 * dis_ * a2 - zn
            Wm = w_ref[...]
            h = (jnp.dot(zn, Wm[0], preferred_element_type=F32)
                 + jnp.dot(t1, Wm[1], preferred_element_type=F32)
                 + jnp.dot(t2, Wm[2], preferred_element_type=F32)
                 + b_ref[...])
            nrm = jnp.sqrt(jnp.sum(h * h, axis=1, keepdims=True))
            xr = h / jnp.maximum(nrm, 1e-12)
            out_o[...] = lax.dot_general(
                xr, lw_ref[...], (((1,), (1,)), ((), ())),
                preferred_element_type=F32) + lb_ref[...]

        return _call(body,
                     [_rows(H), _bcast((8, H)), _bcast((1, H)), _bcast((1, H)),
                      _rows(HW), _rows(HW), _rows(HW), _rows(HW),
                      _rows(1), _bcast((3, H, H)), _bcast((1, H)),
                      _bcast((3, H)), _bcast((1, 3))],
                     [_rows(3)],
                     [jax.ShapeDtypeStruct((N, 3), F32)])(
                         z, st, g, bb, c0, c1, d0, d1, dis, W, b, lw, lb)[0]


    x = x.astype(F32)
    src = edge_index[0]
    dst = edge_index[1]
    ones_u = jnp.zeros((NP, HW), F32).at[:, 0].set(1.0)
    zer32 = jnp.zeros((RPT, HW), F32)
    zeros_u = jnp.zeros((NP, HW), F32)
    b1 = conv1_b.reshape(1, H)
    b2 = conv2_b.reshape(1, H)
    b3 = conv3_b.reshape(1, H)
    b4 = conv4_b.reshape(1, H)
    g1, gb1 = bn1_g.reshape(1, H), bn1_b.reshape(1, H)
    g2, gb2 = bn2_g.reshape(1, H), bn2_b.reshape(1, H)
    g3, gb3 = bn3_g.reshape(1, H), bn3_b.reshape(1, H)
    lbr = lin_b.reshape(1, 3)

    sc_prop = _sc_prop()

    e_norm = jnp.stack([src, dst])

    def loop_body(k, carry):
        u0, u1, a0, a1v, z, st, dis, out = carry
        flg = jnp.where(k == 0, jnp.zeros((16,), jnp.int32),
                        jnp.zeros((16,), jnp.int32).at[0].set(1))
        o0, o1 = sc_prop(e_norm, flg, u0, u1, zer32)

        def s0(u0, u1, a0, a1v, z, st, dis, out):
            dis2, un0 = tc0(o0, x)
            return un0, u1, a0, a1v, z, st, dis2, out

        def s1(u0, u1, a0, a1v, z, st, dis, out):
            un0 = tc_m1(o0, dis)
            return un0, u1, o0, a1v, z, st, dis, out

        def s2(u0, u1, a0, a1v, z, st, dis, out):
            z1, st1 = tc_b1(x, a0, o0, dis, conv1_W, b1)
            n0, n1 = tc_a(z1, st1, g1, gb1, dis)
            return n0, n1, a0, a1v, z1, st1, dis, out

        def even(u0, u1, a0, a1v, z, st, dis, out):
            n0, n1 = tc_m(o0, o1, dis)
            return n0, n1, o0, o1, z, st, dis, out

        def mk_odd(g, gb, W, b, gn, gbn, leaky):
            def odd(u0, u1, a0, a1v, z, st, dis, out):
                z2, st2 = tc_b(z, st, g, gb, a0, a1v, o0, o1, dis, W, b, leaky)
                n0, n1 = tc_a(z2, st2, gn, gbn, dis)
                return n0, n1, a0, a1v, z2, st2, dis, out
            return odd

        def last(u0, u1, a0, a1v, z, st, dis, out):
            out2 = tc_b4(z, st, g3, gb3, a0, a1v, o0, o1, dis,
                         conv4_W, b4, lin_W, lbr)
            return u0, u1, a0, a1v, z, st, dis, out2

        branches = (s0, s1, s2,
                    even, mk_odd(g1, gb1, conv2_W, b2, g2, gb2, True),
                    even, mk_odd(g2, gb2, conv3_W, b3, g3, gb3, False),
                    even, last)
        return lax.switch(k, branches, u0, u1, a0, a1v, z, st, dis, out)

    zv = jnp.zeros((NP, HW), F32)
    carry = (ones_u, zeros_u, zv, zv,
             jnp.zeros((NP, H), F32), jnp.zeros((8, H), F32),
             jnp.zeros((NP, 1), F32), jnp.zeros((N, 3), F32))
    res = lax.fori_loop(0, 9, loop_body, carry)
    return res[7]

# --- scband reference (transcript-rebuilt; emitter-appended) ---
"""Pipeline reference for scband-hno-41223096107483 (READ-ONLY COPY).

The authoritative reference and input builder live on the scoring server;
editing this copy changes nothing except your own understanding.
"""

import jax, jax.numpy as jnp
import numpy as np

N = 50000
E = 800000
H = 64
K = 3


def setup_inputs(seed: int = 0):
    key = jax.random.key(seed)
    ks = jax.random.split(key, 12)
    inp = {}
    inp['x'] = jax.random.normal(ks[0], (N, 3), jnp.float32)
    inp['edge_index'] = jax.random.randint(ks[1], (2, E), 0, N, jnp.int32)
    inp['conv1_W'] = jax.random.normal(ks[2], (K, 3, H), jnp.float32) * 0.1
    inp['conv1_b'] = jnp.zeros((H,), jnp.float32)
    inp['conv2_W'] = jax.random.normal(ks[3], (K, H, H), jnp.float32) * 0.05
    inp['conv2_b'] = jnp.zeros((H,), jnp.float32)
    inp['conv3_W'] = jax.random.normal(ks[4], (K, H, H), jnp.float32) * 0.05
    inp['conv3_b'] = jnp.zeros((H,), jnp.float32)
    inp['conv4_W'] = jax.random.normal(ks[5], (K, H, H), jnp.float32) * 0.05
    inp['conv4_b'] = jnp.zeros((H,), jnp.float32)
    inp['bn1_g'] = jnp.ones((H,), jnp.float32)
    inp['bn1_b'] = jnp.zeros((H,), jnp.float32)
    inp['bn2_g'] = jnp.ones((H,), jnp.float32)
    inp['bn2_b'] = jnp.zeros((H,), jnp.float32)
    inp['bn3_g'] = jnp.ones((H,), jnp.float32)
    inp['bn3_b'] = jnp.zeros((H,), jnp.float32)
    inp['lin_W'] = jax.random.normal(ks[6], (3, H), jnp.float32) * 0.1
    inp['lin_b'] = jnp.zeros((3,), jnp.float32)
    return inp


def _cheb(x, src, dst, w, W, b):
    n = x.shape[0]
    def prop(h):
        return jax.ops.segment_sum(w[:, None] * h[src], dst, num_segments=n)
    Tx0 = x
    out = Tx0 @ W[0]
    Tx1 = prop(Tx0)
    out = out + Tx1 @ W[1]
    for k in range(2, W.shape[0]):
        Tx2 = 2.0 * prop(Tx1) - Tx0
        out = out + Tx2 @ W[k]
        Tx0, Tx1 = Tx1, Tx2
    return out + b


def _bn(x, g, b):
    m = jnp.mean(x, axis=0)
    v = jnp.mean((x - m) ** 2, axis=0)
    return (x - m) / jnp.sqrt(v + 1e-5) * g + b


def _lrelu(x):
    return jnp.where(x > 0, x, 0.01 * x)


def reference(x, edge_index, conv1_W, conv1_b, conv2_W, conv2_b, conv3_W, conv3_b, conv4_W, conv4_b, bn1_g, bn1_b, bn2_g, bn2_b, bn3_g, bn3_b, lin_W, lin_b):
    x = x.astype(jnp.float32)
    src = edge_index[0]
    dst = edge_index[1]
    n = x.shape[0]
    # ChebConv 'sym' normalization with default lambda_max=2.0:
    # L_hat = (2/lambda_max) * (I - D^-1/2 A D^-1/2) - I = -D^-1/2 A D^-1/2 (diag cancels for deg>0)
    deg = jax.ops.segment_sum(jnp.ones_like(src, dtype=jnp.float32), src, num_segments=n)
    dis = jnp.where(deg > 0, 1.0 / jnp.sqrt(jnp.maximum(deg, 1.0)), 0.0)
    w = -dis[src] * dis[dst]
    h = _bn(_lrelu(_cheb(x, src, dst, w, conv1_W, conv1_b)), bn1_g, bn1_b)
    h = _bn(_lrelu(_cheb(h, src, dst, w, conv2_W, conv2_b)), bn2_g, bn2_b)
    h = _bn(jax.nn.relu(_cheb(h, src, dst, w, conv3_W, conv3_b)), bn3_g, bn3_b)
    h = _cheb(h, src, dst, w, conv4_W, conv4_b)
    nrm = jnp.sqrt(jnp.sum(h * h, axis=1, keepdims=True))
    x_rep = h / jnp.maximum(nrm, 1e-12)
    x_recon = x_rep @ lin_W.T + lin_b
    return x_recon

if __name__ == "__main__":
    import jax
    _d = setup_inputs()
    print(jax.jit(kernel)(*tuple(_d.values())))

</pallas_src>

<mosaic_0001>
#map = affine_map<(d0, d1) -> (0, 0)>
#map1 = affine_map<(d0, d1) -> (0)>
module attributes {stable_mosaic.version = 14 : i64} {
  func.func @body(%arg0: i32, %arg1: i32, %arg2: memref<2x800000xi32, #tpu.memory_space<hbm>>, %arg3: memref<16xi32, #tpu.memory_space<hbm>>, %arg4: memref<50048x32xf32, #tpu.memory_space<hbm>>, %arg5: memref<50048x32xf32, #tpu.memory_space<hbm>>, %arg6: memref<3128x32xf32, #tpu.memory_space<hbm>>, %arg7: memref<50048x32xf32, #tpu.memory_space<hbm>>, %arg8: memref<50048x32xf32, #tpu.memory_space<hbm>>, %arg9: memref<2x400xi32, #tpu.memory_space<vmem>>, %arg10: memref<2x400xi32, #tpu.memory_space<vmem>>, %arg11: memref<400x32xf32, #tpu.memory_space<vmem>>, %arg12: memref<400x32xf32, #tpu.memory_space<vmem>>, %arg13: memref<50048x32xf32, #tpu.memory_space<vmem_shared>>, %arg14: memref<16xi32, #tpu.memory_space<vmem>>, %arg15: memref<!tpu.dma_semaphore, #tpu.memory_space<semaphore_mem>>, %arg16: memref<!tpu.dma_semaphore, #tpu.memory_space<semaphore_mem>>) attributes {dimension_semantics = [#tpu.dimension_semantics<core_parallel>, #tpu.dimension_semantics<subcore_parallel>], iteration_bounds = array<i64: 2, 16>, scalar_prefetch = 0 : i64, scratch_operands = 8 : i64, tpu.core_type = #tpu.core_type<sc_vector_subcore>, window_params = [{transform_indices = #map}, {transform_indices = #map1}, {transform_indices = #map}, {transform_indices = #map}, {transform_indices = #map}, {transform_indices = #map}, {transform_indices = #map}]} {
    %mul3A = arith.constant 3128 : i32
    %mul3A_0 = arith.muli %arg1, %mul3A : i32
    %mul3A_1 = arith.constant 50000 : i32
    %mul3A_2 = arith.muli %arg1, %mul3A_1 : i32
    "tpu.region"() ({
      %run_scoped3A = tpu.sem_alloc : memref<!tpu.dma_semaphore, #tpu.memory_space<semaphore_mem>>
      tpu.enqueue_dma source(%arg3 : memref<16xi32, #tpu.memory_space<hbm>>) target(%arg14 : memref<16xi32, #tpu.memory_space<vmem>>) target_semaphore(%run_scoped3A : memref<!tpu.dma_semaphore, #tpu.memory_space<semaphore_mem>>)
      tpu.wait_dma2 semaphore(%run_scoped3A : memref<!tpu.dma_semaphore, #tpu.memory_space<semaphore_mem>>) src(%arg3 : memref<16xi32, #tpu.memory_space<hbm>>) dst(%arg14 : memref<16xi32, #tpu.memory_space<vmem>>)
      tpu.yield
    }) : () -> ()
    %get3A = arith.constant 0 : index
    %get3A_3 = tpu.vector_load %arg14[%get3A] {strides = array<i32>} : memref<16xi32, #tpu.memory_space<vmem>>, vector<16xi32>,
    %get3A_4 = vector.shape_cast %get3A_3 : vector<16xi32> to vector<16xi32>
    %slice3A = vector.extract_strided_slice %get3A_4 {offsets = [0], sizes = [1], strides = [1]} : vector<16xi32> to vector<1xi32>
    %squeeze3A = vector.extract %slice3A[0] : i32 from vector<1xi32>
    %eq3A = arith.constant 0 : i32
    %eq3A_5 = arith.cmpi eq, %arg0, %eq3A : i32
    %convert_element_type3A = arith.extui %eq3A_5 : i1 to i32
    %cond3A = arith.constant 0 : i32
    %cond3A_6 = arith.cmpi ne, %convert_element_type3A, %cond3A : i32
    scf.if %cond3A_6 {
      "tpu.region"() ({
        %run_scoped3A_43 = tpu.sem_alloc : memref<!tpu.dma_semaphore, #tpu.memory_space<semaphore_mem>>
        %dma_start3A_44 = arith.constant 0 : i32
        %dma_start3A_45 = tpu.memref_slice %arg13[%mul3A_0, %dma_start3A_44] : memref<50048x32xf32, #tpu.memory_space<vmem_shared>> -> memref<3128x32xf32, #tpu.memory_space<vmem_shared>>
        tpu.enqueue_dma source(%arg6 : memref<3128x32xf32, #tpu.memory_space<hbm>>) target(%dma_start3A_45 : memref<3128x32xf32, #tpu.memory_space<vmem_shared>>) target_semaphore(%run_scoped3A_43 : memref<!tpu.dma_semaphore, #tpu.memory_space<semaphore_mem>>)
        %dma_wait3A_46 = arith.constant 0 : i32
        %dma_wait3A_47 = tpu.memref_slice %arg13[%mul3A_0, %dma_wait3A_46] : memref<50048x32xf32, #tpu.memory_space<vmem_shared>> -> memref<3128x32xf32, #tpu.memory_space<vmem_shared>>
        tpu.wait_dma2 semaphore(%run_scoped3A_43 : memref<!tpu.dma_semaphore, #tpu.memory_space<semaphore_mem>>) src(%arg6 : memref<3128x32xf32, #tpu.memory_space<hbm>>) dst(%dma_wait3A_47 : memref<3128x32xf32, #tpu.memory_space<vmem_shared>>)
        tpu.yield
      }) : () -> ()
      %barrier3A = arith.constant 0 : index
      tpu.barrier barrier_id(%barrier3A)
      %add3A = arith.constant 0 : i32
      %add3A_12 = arith.addi %mul3A_2, %add3A : i32
      "tpu.region"() ({
        %run_scoped3A_43 = tpu.sem_alloc : memref<!tpu.dma_semaphore, #tpu.memory_space<semaphore_mem>>
        %dma_start3A_44 = arith.constant 0 : i32
        %dma_start3A_45 = tpu.memref_slice %arg2[%dma_start3A_44, %add3A_12] : memref<2x800000xi32, #tpu.memory_space<hbm>> -> memref<2x400xi32, #tpu.memory_space<hbm>>
        %dma_start3A_46 = arith.constant 0 : i32
        %dma_start3A_47 = tpu.memref_slice %arg2[%dma_start3A_46, %add3A_12] : memref<2x800000xi32, #tpu.memory_space<hbm>> -> memref<2x400xi32, #tpu.memory_space<hbm>>
        tpu.enqueue_dma source(%dma_start3A_47 : memref<2x400xi32, #tpu.memory_space<hbm>>) target(%arg9 : memref<2x400xi32, #tpu.memory_space<vmem>>) target_semaphore(%run_scoped3A_43 : memref<!tpu.dma_semaphore, #tpu.memory_space<semaphore_mem>>)
        %dma_wait3A_48 = arith.constant 0 : i32
        %dma_wait3A_49 = tpu.memref_slice %arg2[%dma_wait3A_48, %add3A_12] : memref<2x800000xi32, #tpu.memory_space<hbm>> -> memref<2x400xi32, #tpu.memory_space<hbm>>
        %dma_wait3A_50 = arith.constant 0 : i32
        %dma_wait3A_51 = tpu.memref_slice %arg2[%dma_wait3A_50, %add3A_12] : memref<2x800000xi32, #tpu.memory_space<hbm>> -> memref<2x400xi32, #tpu.memory_space<hbm>>
        tpu.wait_dma2 semaphore(%run_scoped3A_43 : memref<!tpu.dma_semaphore, #tpu.memory_space<semaphore_mem>>) src(%dma_wait3A_51 : memref<2x400xi32, #tpu.memory_space<hbm>>) dst(%arg9 : memref<2x400xi32, #tpu.memory_space<vmem>>)
        tpu.yield
      }) : () -> ()
      %eq3A_13 = arith.constant 0 : i32
      %eq3A_14 = arith.cmpi eq, %squeeze3A, %eq3A_13 : i32
      %convert_element_type3A_15 = arith.extui %eq3A_14 : i1 to i32
      %cond3A_16 = arith.constant 0 : i32
      %cond3A_17 = arith.cmpi ne, %convert_element_type3A_15, %cond3A_16 : i32
      scf.if %cond3A_17 {
        %add3A_43 = arith.constant 0 : i32
        %add3A_44 = arith.addi %mul3A_2, %add3A_43 : i32
        %run_scoped3A_45 = arith.constant 0 : i32
        %run_scoped3A_46 = arith.constant 1 : i32
        "tpu.region"() ({
          %run_scoped3A_47 = tpu.sem_alloc : memref<!tpu.dma_semaphore, #tpu.memory_space<semaphore_mem>>
          %dma_start3A_48 = arith.constant 0 : i32
          %dma_start3A_49 = tpu.memref_slice %arg9[%run_scoped3A_46, %dma_start3A_48] : memref<2x400xi32, #tpu.memory_space<vmem>> -> memref<1x400xi32, #tpu.memory_space<vmem>>
          %dma_start3A_50 = tpu.memref_squeeze %dma_start3A_49 : memref<1x400xi32, #tpu.memory_space<vmem>> -> memref<400xi32, #tpu.memory_space<vmem>>
          %dma_start3A_51 = tpu.memref_slice %arg2[%run_scoped3A_45, %add3A_44] : memref<2x800000xi32, #tpu.memory_space<hbm>> -> memref<1x400xi32, #tpu.memory_space<hbm>>
          %dma_start3A_52 = tpu.memref_squeeze %dma_start3A_51 : memref<1x400xi32, #tpu.memory_space<hbm>> -> memref<400xi32, #tpu.memory_space<hbm>>
          %dma_start3A_53 = arith.constant 0 : i32
          %dma_start3A_54 = tpu.memref_slice %arg9[%run_scoped3A_46, %dma_start3A_53] : memref<2x400xi32, #tpu.memory_space<vmem>> -> memref<1x400xi32, #tpu.memory_space<vmem>>
          %dma_start3A_55 = tpu.memref_squeeze %dma_start3A_54 : memref<1x400xi32, #tpu.memory_space<vmem>> -> memref<400xi32, #tpu.memory_space<vmem>>
          %dma_start3A_56 = tpu.memref_slice %arg2[%run_scoped3A_45, %add3A_44] : memref<2x800000xi32, #tpu.memory_space<hbm>> -> memref<1x400xi32, #tpu.memory_space<hbm>>
          %dma_start3A_57 = tpu.memref_squeeze %dma_start3A_56 : memref<1x400xi32, #tpu.memory_space<hbm>> -> memref<400xi32, #tpu.memory_space<hbm>>
          tpu.enqueue_dma source(%dma_start3A_57 : memref<400xi32, #tpu.memory_space<hbm>>) target(%dma_start3A_55 : memref<400xi32, #tpu.memory_space<vmem>>) target_semaphore(%run_scoped3A_47 : memref<!tpu.dma_semaphore, #tpu.memory_space<semaphore_mem>>)
          %dma_wait3A_58 = arith.constant 0 : i32
          %dma_wait3A_59 = tpu.memref_slice %arg9[%run_scoped3A_46, %dma_wait3A_58] : memref<2x400xi32, #tpu.memory_space<vmem>> -> memref<1x400xi32, #tpu.memory_space<vmem>>
          %dma_wait3A_60 = tpu.memref_squeeze %dma_wait3A_59 : memref<1x400xi32, #tpu.memory_space<vmem>> -> memref<400xi32, #tpu.memory_space<vmem>>
          %dma_wait3A_61 = tpu.memref_slice %arg2[%run_scoped3A_45, %add3A_44] : memref<2x800000xi32, #tpu.memory_space<hbm>> -> memref<1x400xi32, #tpu.memory_space<hbm>>
          %dma_wait3A_62 = tpu.memref_squeeze %dma_wait3A_61 : memref<1x400xi32, #tpu.memory_space<hbm>> -> memref<400xi32, #tpu.memory_space<hbm>>
          %dma_wait3A_63 = arith.constant 0 : i32
          %dma_wait3A_64 = tpu.memref_slice %arg9[%run_scoped3A_46, %dma_wait3A_63] : memref<2x400xi32, #tpu.memory_space<vmem>> -> memref<1x400xi32, #tpu.memory_space<vmem>>
          %dma_wait3A_65 = tpu.memref_squeeze %dma_wait3A_64 : memref<1x400xi32, #tpu.memory_space<vmem>> -> memref<400xi32, #tpu.memory_space<vmem>>
          %dma_wait3A_66 = tpu.memref_slice %arg2[%run_scoped3A_45, %add3A_44] : memref<2x800000xi32, #tpu.memory_space<hbm>> -> memref<1x400xi32, #tpu.memory_space<hbm>>
          %dma_wait3A_67 = tpu.memref_squeeze %dma_wait3A_66 : memref<1x400xi32, #tpu.memory_space<hbm>> -> memref<400xi32, #tpu.memory_space<hbm>>
          tpu.wait_dma2 semaphore(%run_scoped3A_47 : memref<!tpu.dma_semaphore, #tpu.memory_space<semaphore_mem>>) src(%dma_wait3A_67 : memref<400xi32, #tpu.memory_space<hbm>>) dst(%dma_wait3A_65 : memref<400xi32, #tpu.memory_space<vmem>>)
          tpu.yield
        }) : () -> ()
      } else {
      }
      %dma_start3A = arith.constant 0 : i32
      %dma_start3A_18 = arith.constant 0 : i32
      %dma_start3A_19 = tpu.memref_slice %arg9[%dma_start3A, %dma_start3A_18] : memref<2x400xi32, #tpu.memory_space<vmem>> -> memref<1x400xi32, #tpu.memory_space<vmem>>
      %dma_start3A_20 = tpu.memref_squeeze %dma_start3A_19 : memref<1x400xi32, #tpu.memory_space<vmem>> -> memref<400xi32, #tpu.memory_space<vmem>>
      %dma_start3A_21 = arith.constant 0 : i32
      %dma_start3A_22 = arith.constant 0 : i32
      %dma_start3A_23 = tpu.memref_slice %arg4[%dma_start3A_21, %dma_start3A_22] : memref<50048x32xf32, #tpu.memory_space<hbm>> -> memref<50048x32xf32, #tpu.memory_space<hbm>>
      tpu.enqueue_indirect_dma source(%dma_start3A_23 : memref<50048x32xf32, #tpu.memory_space<hbm>>) target(%arg11 : memref<400x32xf32, #tpu.memory_space<vmem>>) offsets(%dma_start3A_20 : memref<400xi32, #tpu.memory_space<vmem>>) semaphore(%arg15 : memref<!tpu.dma_semaphore, #tpu.memory_space<semaphore_mem>>)
      %add3A_24 = arith.constant 400 : i32
      %add3A_25 = arith.addi %mul3A_2, %add3A_24 : i32
      "tpu.region"() ({
        %run_scoped3A_43 = tpu.sem_alloc : memref<!tpu.dma_semaphore, #tpu.memory_space<semaphore_mem>>
        %dma_start3A_44 = arith.constant 0 : i32
        %dma_start3A_45 = tpu.memref_slice %arg2[%dma_start3A_44, %add3A_25] : memref<2x800000xi32, #tpu.memory_space<hbm>> -> memref<2x400xi32, #tpu.memory_space<hbm>>
        %dma_start3A_46 = arith.constant 0 : i32
        %dma_start3A_47 = tpu.memref_slice %arg2[%dma_start3A_46, %add3A_25] : memref<2x800000xi32, #tpu.memory_space<hbm>> -> memref<2x400xi32, #tpu.memory_space<hbm>>
        tpu.enqueue_dma source(%dma_start3A_47 : memref<2x400xi32, #tpu.memory_space<hbm>>) target(%arg10 : memref<2x400xi32, #tpu.memory_space<vmem>>) target_semaphore(%run_scoped3A_43 : memref<!tpu.dma_semaphore, #tpu.memory_space<semaphore_mem>>)
        %dma_wait3A_48 = arith.constant 0 : i32
        %dma_wait3A_49 = tpu.memref_slice %arg2[%dma_wait3A_48, %add3A_25] : memref<2x800000xi32, #tpu.memory_space<hbm>> -> memref<2x400xi32, #tpu.memory_space<hbm>>
        %dma_wait3A_50 = arith.constant 0 : i32
        %dma_wait3A_51 = tpu.memref_slice %arg2[%dma_wait3A_50, %add3A_25] : memref<2x800000xi32, #tpu.memory_space<hbm>> -> memref<2x400xi32, #tpu.memory_space<hbm>>
        tpu.wait_dma2 semaphore(%run_scoped3A_43 : memref<!tpu.dma_semaphore, #tpu.memory_space<semaphore_mem>>) src(%dma_wait3A_51 : memref<2x400xi32, #tpu.memory_space<hbm>>) dst(%arg10 : memref<2x400xi32, #tpu.memory_space<vmem>>)
        tpu.yield
      }) : () -> ()
      %eq3A_26 = arith.constant 0 : i32
      %eq3A_27 = arith.cmpi eq, %squeeze3A, %eq3A_26 : i32
      %convert_element_type3A_28 = arith.extui %eq3A_27 : i1 to i32
      %cond3A_29 = arith.constant 0 : i32
      %cond3A_30 = arith.cmpi ne, %convert_element_type3A_28, %cond3A_29 : i32
      scf.if %cond3A_30 {
        %add3A_43 = arith.constant 400 : i32
        %add3A_44 = arith.addi %mul3A_2, %add3A_43 : i32
        %run_scoped3A_45 = arith.constant 0 : i32
        %run_scoped3A_46 = arith.constant 1 : i32
        "tpu.region"() ({
          %run_scoped3A_47 = tpu.sem_alloc : memref<!tpu.dma_semaphore, #tpu.memory_space<semaphore_mem>>
          %dma_start3A_48 = arith.constant 0 : i32
          %dma_start3A_49 = tpu.memref_slice %arg10[%run_scoped3A_46, %dma_start3A_48] : memref<2x400xi32, #tpu.memory_space<vmem>> -> memref<1x400xi32, #tpu.memory_space<vmem>>
          %dma_start3A_50 = tpu.memref_squeeze %dma_start3A_49 : memref<1x400xi32, #tpu.memory_space<vmem>> -> memref<400xi32, #tpu.memory_space<vmem>>
          %dma_start3A_51 = tpu.memref_slice %arg2[%run_scoped3A_45, %add3A_44] : memref<2x800000xi32, #tpu.memory_space<hbm>> -> memref<1x400xi32, #tpu.memory_space<hbm>>
          %dma_start3A_52 = tpu.memref_squeeze %dma_start3A_51 : memref<1x400xi32, #tpu.memory_space<hbm>> -> memref<400xi32, #tpu.memory_space<hbm>>
          %dma_start3A_53 = arith.constant 0 : i32
          %dma_start3A_54 = tpu.memref_slice %arg10[%run_scoped3A_46, %dma_start3A_53] : memref<2x400xi32, #tpu.memory_space<vmem>> -> memref<1x400xi32, #tpu.memory_space<vmem>>
          %dma_start3A_55 = tpu.memref_squeeze %dma_start3A_54 : memref<1x400xi32, #tpu.memory_space<vmem>> -> memref<400xi32, #tpu.memory_space<vmem>>
          %dma_start3A_56 = tpu.memref_slice %arg2[%run_scoped3A_45, %add3A_44] : memref<2x800000xi32, #tpu.memory_space<hbm>> -> memref<1x400xi32, #tpu.memory_space<hbm>>
          %dma_start3A_57 = tpu.memref_squeeze %dma_start3A_56 : memref<1x400xi32, #tpu.memory_space<hbm>> -> memref<400xi32, #tpu.memory_space<hbm>>
          tpu.enqueue_dma source(%dma_start3A_57 : memref<400xi32, #tpu.memory_space<hbm>>) target(%dma_start3A_55 : memref<400xi32, #tpu.memory_space<vmem>>) target_semaphore(%run_scoped3A_47 : memref<!tpu.dma_semaphore, #tpu.memory_space<semaphore_mem>>)
          %dma_wait3A_58 = arith.constant 0 : i32
          %dma_wait3A_59 = tpu.memref_slice %arg10[%run_scoped3A_46, %dma_wait3A_58] : memref<2x400xi32, #tpu.memory_space<vmem>> -> memref<1x400xi32, #tpu.memory_space<vmem>>
          %dma_wait3A_60 = tpu.memref_squeeze %dma_wait3A_59 : memref<1x400xi32, #tpu.memory_space<vmem>> -> memref<400xi32, #tpu.memory_space<vmem>>
          %dma_wait3A_61 = tpu.memref_slice %arg2[%run_scoped3A_45, %add3A_44] : memref<2x800000xi32, #tpu.memory_space<hbm>> -> memref<1x400xi32, #tpu.memory_space<hbm>>
          %dma_wait3A_62 = tpu.memref_squeeze %dma_wait3A_61 : memref<1x400xi32, #tpu.memory_space<hbm>> -> memref<400xi32, #tpu.memory_space<hbm>>
          %dma_wait3A_63 = arith.constant 0 : i32
          %dma_wait3A_64 = tpu.memref_slice %arg10[%run_scoped3A_46, %dma_wait3A_63] : memref<2x400xi32, #tpu.memory_space<vmem>> -> memref<1x400xi32, #tpu.memory_space<vmem>>
          %dma_wait3A_65 = tpu.memref_squeeze %dma_wait3A_64 : memref<1x400xi32, #tpu.memory_space<vmem>> -> memref<400xi32, #tpu.memory_space<vmem>>
          %dma_wait3A_66 = tpu.memref_slice %arg2[%run_scoped3A_45, %add3A_44] : memref<2x800000xi32, #tpu.memory_space<hbm>> -> memref<1x400xi32, #tpu.memory_space<hbm>>
          %dma_wait3A_67 = tpu.memref_squeeze %dma_wait3A_66 : memref<1x400xi32, #tpu.memory_space<hbm>> -> memref<400xi32, #tpu.memory_space<hbm>>
          tpu.wait_dma2 semaphore(%run_scoped3A_47 : memref<!tpu.dma_semaphore, #tpu.memory_space<semaphore_mem>>) src(%dma_wait3A_67 : memref<400xi32, #tpu.memory_space<hbm>>) dst(%dma_wait3A_65 : memref<400xi32, #tpu.memory_space<vmem>>)
          tpu.yield
        }) : () -> ()
      } else {
      }
      %scan3A = arith.constant 0 : i32
      %scan3A_31 = arith.constant 0 : i32
      %scan3A_32 = arith.constant 62 : i32
      %scan3A_33 = arith.addi %scan3A_31, %scan3A_32 : i32
      %scan3A_34 = arith.constant 1 : i32
      scf.for %scan3A_43 = %scan3A_31 to %scan3A_33 step %scan3A_34  : i32 {
        %mul3A_44 = arith.constant 2 : i32
        %mul3A_45 = arith.muli %mul3A_44, %scan3A_43 : i32
        %add3A_46 = arith.constant 1 : i32
        %add3A_47 = arith.addi %mul3A_45, %add3A_46 : i32
        %dma_start3A_48 = arith.constant 0 : i32
        %dma_start3A_49 = arith.constant 0 : i32
        %dma_start3A_50 = tpu.memref_slice %arg10[%dma_start3A_48, %dma_start3A_49] : memref<2x400xi32, #tpu.memory_space<vmem>> -> memref<1x400xi32, #tpu.memory_space<vmem>>
        %dma_start3A_51 = tpu.memref_squeeze %dma_start3A_50 : memref<1x400xi32, #tpu.memory_space<vmem>> -> memref<400xi32, #tpu.memory_space<vmem>>
        %dma_start3A_52 = arith.constant 0 : i32
        %dma_start3A_53 = arith.constant 0 : i32
        %dma_start3A_54 = tpu.memref_slice %arg4[%dma_start3A_52, %dma_start3A_53] : memref<50048x32xf32, #tpu.memory_space<hbm>> -> memref<50048x32xf32, #tpu.memory_space<hbm>>
        tpu.enqueue_indirect_dma source(%dma_start3A_54 : memref<50048x32xf32, #tpu.memory_space<hbm>>) target(%arg12 : memref<400x32xf32, #tpu.memory_space<vmem>>) offsets(%dma_start3A_51 : memref<400xi32, #tpu.memory_space<vmem>>) semaphore(%arg16 : memref<!tpu.dma_semaphore, #tpu.memory_space<semaphore_mem>>)
        %dma_wait3A_55 = arith.constant 0 : i32
        %dma_wait3A_56 = arith.constant 0 : i32
        %dma_wait3A_57 = tpu.memref_slice %arg9[%dma_wait3A_55, %dma_wait3A_56] : memref<2x400xi32, #tpu.memory_space<vmem>> -> memref<1x400xi32, #tpu.memory_space<vmem>>
        %dma_wait3A_58 = tpu.memref_squeeze %dma_wait3A_57 : memref<1x400xi32, #tpu.memory_space<vmem>> -> memref<400xi32, #tpu.memory_space<vmem>>
        %dma_wait3A_59 = arith.constant 0 : i32
        %dma_wait3A_60 = arith.constant 0 : i32
        %dma_wait3A_61 = tpu.memref_slice %arg4[%dma_wait3A_59, %dma_wait3A_60] : memref<50048x32xf32, #tpu.memory_space<hbm>> -> memref<50048x32xf32, #tpu.memory_space<hbm>>
        tpu.wait_indirect_dma semaphore(%arg15 : memref<!tpu.dma_semaphore, #tpu.memory_space<semaphore_mem>>) src(%dma_wait3A_61 : memref<50048x32xf32, #tpu.memory_space<hbm>>) dst(%arg11 : memref<400x32xf32, #tpu.memory_space<vmem>>)
        %run_scoped3A_62 = arith.constant 1 : i32
        "tpu.region"() ({
          %run_scoped3A_94 = tpu.sem_alloc : memref<!tpu.dma_semaphore, #tpu.memory_space<semaphore_mem>>
          %dma_start3A_95 = arith.constant 0 : i32
          %dma_start3A_96 = tpu.memref_slice %arg9[%run_scoped3A_62, %dma_start3A_95] : memref<2x400xi32, #tpu.memory_space<vmem>> -> memref<1x400xi32, #tpu.memory_space<vmem>>
          %dma_start3A_97 = tpu.memref_squeeze %dma_start3A_96 : memref<1x400xi32, #tpu.memory_space<vmem>> -> memref<400xi32, #tpu.memory_space<vmem>>
          %dma_start3A_98 = arith.constant 0 : i32
          %dma_start3A_99 = arith.constant 0 : i32
          %dma_start3A_100 = tpu.memref_slice %arg13[%dma_start3A_98, %dma_start3A_99] : memref<50048x32xf32, #tpu.memory_space<vmem_shared>> -> memref<50048x32xf32, #tpu.memory_space<vmem_shared>>
          tpu.enqueue_indirect_dma source(%arg11 : memref<400x32xf32, #tpu.memory_space<vmem>>) target(%dma_start3A_100 : memref<50048x32xf32, #tpu.memory_space<vmem_shared>>) offsets(%dma_start3A_97 : memref<400xi32, #tpu.memory_space<vmem>>) semaphore(%run_scoped3A_94 : memref<!tpu.dma_semaphore, #tpu.memory_space<semaphore_mem>>) {add = true}
          %dma_wait3A_101 = arith.constant 0 : i32
          %dma_wait3A_102 = tpu.memref_slice %arg9[%run_scoped3A_62, %dma_wait3A_101] : memref<2x400xi32, #tpu.memory_space<vmem>> -> memref<1x400xi32, #tpu.memory_space<vmem>>
          %dma_wait3A_103 = tpu.memref_squeeze %dma_wait3A_102 : memref<1x400xi32, #tpu.memory_space<vmem>> -> memref<400xi32, #tpu.memory_space<vmem>>
          %dma_wait3A_104 = arith.constant 0 : i32
          %dma_wait3A_105 = arith.constant 0 : i32
          %dma_wait3A_106 = tpu.memref_slice %arg13[%dma_wait3A_104, %dma_wait3A_105] : memref<50048x32xf32, #tpu.memory_space<vmem_shared>> -> memref<50048x32xf32, #tpu.memory_space<vmem_shared>>
          tpu.wait_indirect_dma semaphore(%run_scoped3A_94 : memref<!tpu.dma_semaphore, #tpu.memory_space<semaphore_mem>>) src(%arg11 : memref<400x32xf32, #tpu.memory_space<vmem>>) dst(%dma_wait3A_106 : memref<50048x32xf32, #tpu.memory_space<vmem_shared>>)
          tpu.yield
        }) : () -> ()
        %add3A_63 = arith.constant 1 : i32
        %add3A_64 = arith.addi %add3A_47, %add3A_63 : i32
        %mul3A_65 = arith.constant 400 : i32
        %mul3A_66 = arith.muli %add3A_64, %mul3A_65 : i32
        %add3A_67 = arith.addi %mul3A_2, %mul3A_66 : i32
        "tpu.region"() ({
          %run_scoped3A_94 = tpu.sem_alloc : memref<!tpu.dma_semaphore, #tpu.memory_space<semaphore_mem>>
          %dma_start3A_95 = arith.constant 0 : i32
          %dma_start3A_96 = tpu.memref_slice %arg2[%dma_start3A_95, %add3A_67] : memref<2x800000xi32, #tpu.memory_space<hbm>> -> memref<2x400xi32, #tpu.memory_space<hbm>>
          %dma_start3A_97 = arith.constant 0 : i32
          %dma_start3A_98 = tpu.memref_slice %arg2[%dma_start3A_97, %add3A_67] : memref<2x800000xi32, #tpu.memory_space<hbm>> -> memref<2x400xi32, #tpu.memory_space<hbm>>
          tpu.enqueue_dma source(%dma_start3A_98 : memref<2x400xi32, #tpu.memory_space<hbm>>) target(%arg9 : memref<2x400xi32, #tpu.memory_space<vmem>>) target_semaphore(%run_scoped3A_94 : memref<!tpu.dma_semaphore, #tpu.memory_space<semaphore_mem>>)
          %dma_wait3A_99 = arith.constant 0 : i32
          %dma_wait3A_100 = tpu.memref_slice %arg2[%dma_wait3A_99, %add3A_67] : memref<2x800000xi32, #tpu.memory_space<hbm>> -> memref<2x400xi32, #tpu.memory_space<hbm>>
          %dma_wait3A_101 = arith.constant 0 : i32
          %dma_wait3A_102 = tpu.memref_slice %arg2[%dma_wait3A_101, %add3A_67] : memref<2x800000xi32, #tpu.memory_space<hbm>> -> memref<2x400xi32, #tpu.memory_space<hbm>>
          tpu.wait_dma2 semaphore(%run_scoped3A_94 : memref<!tpu.dma_semaphore, #tpu.memory_space<semaphore_mem>>) src(%dma_wait3A_102 : memref<2x400xi32, #tpu.memory_space<hbm>>) dst(%arg9 : memref<2x400xi32, #tpu.memory_space<vmem>>)
          tpu.yield
        }) : () -> ()
        %eq3A_68 = arith.constant 0 : i32
        %eq3A_69 = arith.cmpi eq, %squeeze3A, %eq3A_68 : i32
        %convert_element_type3A_70 = arith.extui %eq3A_69 : i1 to i32
        %cond3A_71 = arith.constant 0 : i32
        %cond3A_72 = arith.cmpi ne, %convert_element_type3A_70, %cond3A_71 : i32
        scf.if %cond3A_72 {
          %mul3A_94 = arith.constant 400 : i32
          %mul3A_95 = arith.muli %add3A_64, %mul3A_94 : i32
          %add3A_96 = arith.addi %mul3A_2, %mul3A_95 : i32
          %run_scoped3A_97 = arith.constant 0 : i32
          %run_scoped3A_98 = arith.constant 1 : i32
          "tpu.region"() ({
            %run_scoped3A_99 = tpu.sem_alloc : memref<!tpu.dma_semaphore, #tpu.memory_space<semaphore_mem>>
            %dma_start3A_100 = arith.constant 0 : i32
            %dma_start3A_101 = tpu.memref_slice %arg9[%run_scoped3A_98, %dma_start3A_100] : memref<2x400xi32, #tpu.memory_space<vmem>> -> memref<1x400xi32, #tpu.memory_space<vmem>>
            %dma_start3A_102 = tpu.memref_squeeze %dma_start3A_101 : memref<1x400xi32, #tpu.memory_space<vmem>> -> memref<400xi32, #tpu.memory_space<vmem>>
            %dma_start3A_103 = tpu.memref_slice %arg2[%run_scoped3A_97, %add3A_96] : memref<2x800000xi32, #tpu.memory_space<hbm>> -> memref<1x400xi32, #tpu.memory_space<hbm>>
            %dma_start3A_104 = tpu.memref_squeeze %dma_start3A_103 : memref<1x400xi32, #tpu.memory_space<hbm>> -> memref<400xi32, #tpu.memory_space<hbm>>
            %dma_start3A_105 = arith.constant 0 : i32
            %dma_start3A_106 = tpu.memref_slice %arg9[%run_scoped3A_98, %dma_start3A_105] : memref<2x400xi32, #tpu.memory_space<vmem>> -> memref<1x400xi32, #tpu.memory_space<vmem>>
            %dma_start3A_107 = tpu.memref_squeeze %dma_start3A_106 : memref<1x400xi32, #tpu.memory_space<vmem>> -> memref<400xi32, #tpu.memory_space<vmem>>
            %dma_start3A_108 = tpu.memref_slice %arg2[%run_scoped3A_97, %add3A_96] : memref<2x800000xi32, #tpu.memory_space<hbm>> -> memref<1x400xi32, #tpu.memory_space<hbm>>
            %dma_start3A_109 = tpu.memref_squeeze %dma_start3A_108 : memref<1x400xi32, #tpu.memory_space<hbm>> -> memref<400xi32, #tpu.memory_space<hbm>>
            tpu.enqueue_dma source(%dma_start3A_109 : memref<400xi32, #tpu.memory_space<hbm>>) target(%dma_start3A_107 : memref<400xi32, #tpu.memory_space<vmem>>) target_semaphore(%run_scoped3A_99 : memref<!tpu.dma_semaphore, #tpu.memory_space<semaphore_mem>>)
            %dma_wait3A_110 = arith.constant 0 : i32
            %dma_wait3A_111 = tpu.memref_slice %arg9[%run_scoped3A_98, %dma_wait3A_110] : memref<2x400xi32, #tpu.memory_space<vmem>> -> memref<1x400xi32, #tpu.memory_space<vmem>>
            %dma_wait3A_112 = tpu.memref_squeeze %dma_wait3A_111 : memref<1x400xi32, #tpu.memory_space<vmem>> -> memref<400xi32, #tpu.memory_space<vmem>>
            %dma_wait3A_113 = tpu.memref_slice %arg2[%run_scoped3A_97, %add3A_96] : memref<2x800000xi32, #tpu.memory_space<hbm>> -> memref<1x400xi32, #tpu.memory_space<hbm>>
            %dma_wait3A_114 = tpu.memref_squeeze %dma_wait3A_113 : memref<1x400xi32, #tpu.memory_space<hbm>> -> memref<400xi32, #tpu.memory_space<hbm>>
            %dma_wait3A_115 = arith.constant 0 : i32
            %dma_wait3A_116 = tpu.memref_slice %arg9[%run_scoped3A_98, %dma_wait3A_115] : memref<2x400xi32, #tpu.memory_space<vmem>> -> memref<1x400xi32, #tpu.memory_space<vmem>>
            %dma_wait3A_117 = tpu.memref_squeeze %dma_wait3A_116 : memref<1x400xi32, #tpu.memory_space<vmem>> -> memref<400xi32, #tpu.memory_space<vmem>>
            %dma_wait3A_118 = tpu.memref_slice %arg2[%run_scoped3A_97, %add3A_96] : memref<2x800000xi32, #tpu.memory_space<hbm>> -> memref<1x400xi32, #tpu.memory_space<hbm>>
            %dma_wait3A_119 = tpu.memref_squeeze %dma_wait3A_118 : memref<1x400xi32, #tpu.memory_space<hbm>> -> memref<400xi32, #tpu.memory_space<hbm>>
            tpu.wait_dma2 semaphore(%run_scoped3A_99 : memref<!tpu.dma_semaphore, #tpu.memory_space<semaphore_mem>>) src(%dma_wait3A_119 : memref<400xi32, #tpu.memory_space<hbm>>) dst(%dma_wait3A_117 : memref<400xi32, #tpu.memory_space<vmem>>)
            tpu.yield
          }) : () -> ()
        } else {
        }
        %dma_start3A_73 = arith.constant 0 : i32
        %dma_start3A_74 = arith.constant 0 : i32
        %dma_start3A_75 = tpu.memref_slice %arg9[%dma_start3A_73, %dma_start3A_74] : memref<2x400xi32, #tpu.memory_space<vmem>> -> memref<1x400xi32, #tpu.memory_space<vmem>>
        %dma_start3A_76 = tpu.memref_squeeze %dma_start3A_75 : memref<1x400xi32, #tpu.memory_space<vmem>> -> memref<400xi32, #tpu.memory_space<vmem>>
        %dma_start3A_77 = arith.constant 0 : i32
        %dma_start3A_78 = arith.constant 0 : i32
        %dma_start3A_79 = tpu.memref_slice %arg4[%dma_start3A_77, %dma_start3A_78] : memref<50048x32xf32, #tpu.memory_space<hbm>> -> memref<50048x32xf32, #tpu.memory_space<hbm>>
        tpu.enqueue_indirect_dma source(%dma_start3A_79 : memref<50048x32xf32, #tpu.memory_space<hbm>>) target(%arg11 : memref<400x32xf32, #tpu.memory_space<vmem>>) offsets(%dma_start3A_76 : memref<400xi32, #tpu.memory_space<vmem>>) semaphore(%arg15 : memref<!tpu.dma_semaphore, #tpu.memory_space<semaphore_mem>>)
        %dma_wait3A_80 = arith.constant 0 : i32
        %dma_wait3A_81 = arith.constant 0 : i32
        %dma_wait3A_82 = tpu.memref_slice %arg10[%dma_wait3A_80, %dma_wait3A_81] : memref<2x400xi32, #tpu.memory_space<vmem>> -> memref<1x400xi32, #tpu.memory_space<vmem>>
        %dma_wait3A_83 = tpu.memref_squeeze %dma_wait3A_82 : memref<1x400xi32, #tpu.memory_space<vmem>> -> memref<400xi32, #tpu.memory_space<vmem>>
        %dma_wait3A_84 = arith.constant 0 : i32
        %dma_wait3A_85 = arith.constant 0 : i32
        %dma_wait3A_86 = tpu.memref_slice %arg4[%dma_wait3A_84, %dma_wait3A_85] : memref<50048x32xf32, #tpu.memory_space<hbm>> -> memref<50048x32xf32, #tpu.memory_space<hbm>>
        tpu.wait_indirect_dma semaphore(%arg16 : memref<!tpu.dma_semaphore, #tpu.memory_space<semaphore_mem>>) src(%dma_wait3A_86 : memref<50048x32xf32, #tpu.memory_space<hbm>>) dst(%arg12 : memref<400x32xf32, #tpu.memory_space<vmem>>)
        %run_scoped3A_87 = arith.constant 1 : i32
        "tpu.region"() ({
          %run_scoped3A_94 = tpu.sem_alloc : memref<!tpu.dma_semaphore, #tpu.memory_space<semaphore_mem>>
          %dma_start3A_95 = arith.constant 0 : i32
          %dma_start3A_96 = tpu.memref_slice %arg10[%run_scoped3A_87, %dma_start3A_95] : memref<2x400xi32, #tpu.memory_space<vmem>> -> memref<1x400xi32, #tpu.memory_space<vmem>>
          %dma_start3A_97 = tpu.memref_squeeze %dma_start3A_96 : memref<1x400xi32, #tpu.memory_space<vmem>> -> memref<400xi32, #tpu.memory_space<vmem>>
          %dma_start3A_98 = arith.constant 0 : i32
          %dma_start3A_99 = arith.constant 0 : i32
          %dma_start3A_100 = tpu.memref_slice %arg13[%dma_start3A_98, %dma_start3A_99] : memref<50048x32xf32, #tpu.memory_space<vmem_shared>> -> memref<50048x32xf32, #tpu.memory_space<vmem_shared>>
          tpu.enqueue_indirect_dma source(%arg12 : memref<400x32xf32, #tpu.memory_space<vmem>>) target(%dma_start3A_100 : memref<50048x32xf32, #tpu.memory_space<vmem_shared>>) offsets(%dma_start3A_97 : memref<400xi32, #tpu.memory_space<vmem>>) semaphore(%run_scoped3A_94 : memref<!tpu.dma_semaphore, #tpu.memory_space<semaphore_mem>>) {add = true}
          %dma_wait3A_101 = arith.constant 0 : i32
          %dma_wait3A_102 = tpu.memref_slice %arg10[%run_scoped3A_87, %dma_wait3A_101] : memref<2x400xi32, #tpu.memory_space<vmem>> -> memref<1x400xi32, #tpu.memory_space<vmem>>
          %dma_wait3A_103 = tpu.memref_squeeze %dma_wait3A_102 : memref<1x400xi32, #tpu.memory_space<vmem>> -> memref<400xi32, #tpu.memory_space<vmem>>
          %dma_wait3A_104 = arith.constant 0 : i32
          %dma_wait3A_105 = arith.constant 0 : i32
          %dma_wait3A_106 = tpu.memref_slice %arg13[%dma_wait3A_104, %dma_wait3A_105] : memref<50048x32xf32, #tpu.memory_space<vmem_shared>> -> memref<50048x32xf32, #tpu.memory_space<vmem_shared>>
          tpu.wait_indirect_dma semaphore(%run_scoped3A_94 : memref<!tpu.dma_semaphore, #tpu.memory_space<semaphore_mem>>) src(%arg12 : memref<400x32xf32, #tpu.memory_space<vmem>>) dst(%dma_wait3A_106 : memref<50048x32xf32, #tpu.memory_space<vmem_shared>>)
          tpu.yield
        }) : () -> ()
        %add3A_88 = arith.constant 2 : i32
        %add3A_89 = arith.addi %add3A_47, %add3A_88 : i32
        %lt3A = arith.constant 125 : i32
        %lt3A_90 = arith.cmpi slt, %add3A_89, %lt3A : i32
        %convert_element_type3A_91 = arith.extui %lt3A_90 : i1 to i32
        %cond3A_92 = arith.constant 0 : i32
        %cond3A_93 = arith.cmpi ne, %convert_element_type3A_91, %cond3A_92 : i32
        scf.if %cond3A_93 {
          %add3A_94 = arith.constant 2 : i32
          %add3A_95 = arith.addi %add3A_47, %add3A_94 : i32
          %mul3A_96 = arith.constant 400 : i32
          %mul3A_97 = arith.muli %add3A_95, %mul3A_96 : i32
          %add3A_98 = arith.addi %mul3A_2, %mul3A_97 : i32
          "tpu.region"() ({
            %run_scoped3A_104 = tpu.sem_alloc : memref<!tpu.dma_semaphore, #tpu.memory_space<semaphore_mem>>
            %dma_start3A_105 = arith.constant 0 : i32
            %dma_start3A_106 = tpu.memref_slice %arg2[%dma_start3A_105, %add3A_98] : memref<2x800000xi32, #tpu.memory_space<hbm>> -> memref<2x400xi32, #tpu.memory_space<hbm>>
            %dma_start3A_107 = arith.constant 0 : i32
            %dma_start3A_108 = tpu.memref_slice %arg2[%dma_start3A_107, %add3A_98] : memref<2x800000xi32, #tpu.memory_space<hbm>> -> memref<2x400xi32, #tpu.memory_space<hbm>>
            tpu.enqueue_dma source(%dma_start3A_108 : memref<2x400xi32, #tpu.memory_space<hbm>>) target(%arg10 : memref<2x400xi32, #tpu.memory_space<vmem>>) target_semaphore(%run_scoped3A_104 : memref<!tpu.dma_semaphore, #tpu.memory_space<semaphore_mem>>)
            %dma_wait3A_109 = arith.constant 0 : i32
            %dma_wait3A_110 = tpu.memref_slice %arg2[%dma_wait3A_109, %add3A_98] : memref<2x800000xi32, #tpu.memory_space<hbm>> -> memref<2x400xi32, #tpu.memory_space<hbm>>
            %dma_wait3A_111 = arith.constant 0 : i32
            %dma_wait3A_112 = tpu.memref_slice %arg2[%dma_wait3A_111, %add3A_98] : memref<2x800000xi32, #tpu.memory_space<hbm>> -> memref<2x400xi32, #tpu.memory_space<hbm>>
            tpu.wait_dma2 semaphore(%run_scoped3A_104 : memref<!tpu.dma_semaphore, #tpu.memory_space<semaphore_mem>>) src(%dma_wait3A_112 : memref<2x400xi32, #tpu.memory_space<hbm>>) dst(%arg10 : memref<2x400xi32, #tpu.memory_space<vmem>>)
            tpu.yield
          }) : () -> ()
          %eq3A_99 = arith.constant 0 : i32
          %eq3A_100 = arith.cmpi eq, %squeeze3A, %eq3A_99 : i32
          %convert_element_type3A_101 = arith.extui %eq3A_100 : i1 to i32
          %cond3A_102 = arith.constant 0 : i32
          %cond3A_103 = arith.cmpi ne, %convert_element_type3A_101, %cond3A_102 : i32
          scf.if %cond3A_103 {
            %mul3A_104 = arith.constant 400 : i32
            %mul3A_105 = arith.muli %add3A_95, %mul3A_104 : i32
            %add3A_106 = arith.addi %mul3A_2, %mul3A_105 : i32
            %run_scoped3A_107 = arith.constant 0 : i32
            %run_scoped3A_108 = arith.constant 1 : i32
            "tpu.region"() ({
              %run_scoped3A_109 = tpu.sem_alloc : memref<!tpu.dma_semaphore, #tpu.memory_space<semaphore_mem>>
              %dma_start3A_110 = arith.constant 0 : i32
              %dma_start3A_111 = tpu.memref_slice %arg10[%run_scoped3A_108, %dma_start3A_110] : memref<2x400xi32, #tpu.memory_space<vmem>> -> memref<1x400xi32, #tpu.memory_space<vmem>>
              %dma_start3A_112 = tpu.memref_squeeze %dma_start3A_111 : memref<1x400xi32, #tpu.memory_space<vmem>> -> memref<400xi32, #tpu.memory_space<vmem>>
              %dma_start3A_113 = tpu.memref_slice %arg2[%run_scoped3A_107, %add3A_106] : memref<2x800000xi32, #tpu.memory_space<hbm>> -> memref<1x400xi32, #tpu.memory_space<hbm>>
              %dma_start3A_114 = tpu.memref_squeeze %dma_start3A_113 : memref<1x400xi32, #tpu.memory_space<hbm>> -> memref<400xi32, #tpu.memory_space<hbm>>
              %dma_start3A_115 = arith.constant 0 : i32
              %dma_start3A_116 = tpu.memref_slice %arg10[%run_scoped3A_108, %dma_start3A_115] : memref<2x400xi32, #tpu.memory_space<vmem>> -> memref<1x400xi32, #tpu.memory_space<vmem>>
              %dma_start3A_117 = tpu.memref_squeeze %dma_start3A_116 : memref<1x400xi32, #tpu.memory_space<vmem>> -> memref<400xi32, #tpu.memory_space<vmem>>
              %dma_start3A_118 = tpu.memref_slice %arg2[%run_scoped3A_107, %add3A_106] : memref<2x800000xi32, #tpu.memory_space<hbm>> -> memref<1x400xi32, #tpu.memory_space<hbm>>
              %dma_start3A_119 = tpu.memref_squeeze %dma_start3A_118 : memref<1x400xi32, #tpu.memory_space<hbm>> -> memref<400xi32, #tpu.memory_space<hbm>>
              tpu.enqueue_dma source(%dma_start3A_119 : memref<400xi32, #tpu.memory_space<hbm>>) target(%dma_start3A_117 : memref<400xi32, #tpu.memory_space<vmem>>) target_semaphore(%run_scoped3A_109 : memref<!tpu.dma_semaphore, #tpu.memory_space<semaphore_mem>>)
              %dma_wait3A_120 = arith.constant 0 : i32
              %dma_wait3A_121 = tpu.memref_slice %arg10[%run_scoped3A_108, %dma_wait3A_120] : memref<2x400xi32, #tpu.memory_space<vmem>> -> memref<1x400xi32, #tpu.memory_space<vmem>>
              %dma_wait3A_122 = tpu.memref_squeeze %dma_wait3A_121 : memref<1x400xi32, #tpu.memory_space<vmem>> -> memref<400xi32, #tpu.memory_space<vmem>>
              %dma_wait3A_123 = tpu.memref_slice %arg2[%run_scoped3A_107, %add3A_106] : memref<2x800000xi32, #tpu.memory_space<hbm>> -> memref<1x400xi32, #tpu.memory_space<hbm>>
              %dma_wait3A_124 = tpu.memref_squeeze %dma_wait3A_123 : memref<1x400xi32, #tpu.memory_space<hbm>> -> memref<400xi32, #tpu.memory_space<hbm>>
              %dma_wait3A_125 = arith.constant 0 : i32
              %dma_wait3A_126 = tpu.memref_slice %arg10[%run_scoped3A_108, %dma_wait3A_125] : memref<2x400xi32, #tpu.memory_space<vmem>> -> memref<1x400xi32, #tpu.memory_space<vmem>>
              %dma_wait3A_127 = tpu.memref_squeeze %dma_wait3A_126 : memref<1x400xi32, #tpu.memory_space<vmem>> -> memref<400xi32, #tpu.memory_space<vmem>>
              %dma_wait3A_128 = tpu.memref_slice %arg2[%run_scoped3A_107, %add3A_106] : memref<2x800000xi32, #tpu.memory_space<hbm>> -> memref<1x400xi32, #tpu.memory_space<hbm>>
              %dma_wait3A_129 = tpu.memref_squeeze %dma_wait3A_128 : memref<1x400xi32, #tpu.memory_space<hbm>> -> memref<400xi32, #tpu.memory_space<hbm>>
              tpu.wait_dma2 semaphore(%run_scoped3A_109 : memref<!tpu.dma_semaphore, #tpu.memory_space<semaphore_mem>>) src(%dma_wait3A_129 : memref<400xi32, #tpu.memory_space<hbm>>) dst(%dma_wait3A_127 : memref<400xi32, #tpu.memory_space<vmem>>)
              tpu.yield
            }) : () -> ()
          } else {
          }
        } else {
        }
      }
      %scan3A_35 = arith.constant 62 : i32
      %dma_wait3A = arith.constant 0 : i32
      %dma_wait3A_36 = arith.constant 0 : i32
      %dma_wait3A_37 = tpu.memref_slice %arg9[%dma_wait3A, %dma_wait3A_36] : memref<2x400xi32, #tpu.memory_space<vmem>> -> memref<1x400xi32, #tpu.memory_space<vmem>>
      %dma_wait3A_38 = tpu.memref_squeeze %dma_wait3A_37 : memref<1x400xi32, #tpu.memory_space<vmem>> -> memref<400xi32, #tpu.memory_space<vmem>>
      %dma_wait3A_39 = arith.constant 0 : i32
      %dma_wait3A_40 = arith.constant 0 : i32
      %dma_wait3A_41 = tpu.memref_slice %arg4[%dma_wait3A_39, %dma_wait3A_40] : memref<50048x32xf32, #tpu.memory_space<hbm>> -> memref<50048x32xf32, #tpu.memory_space<hbm>>
      tpu.wait_indirect_dma semaphore(%arg15 : memref<!tpu.dma_semaphore, #tpu.memory_space<semaphore_mem>>) src(%dma_wait3A_41 : memref<50048x32xf32, #tpu.memory_space<hbm>>) dst(%arg11 : memref<400x32xf32, #tpu.memory_space<vmem>>)
      %run_scoped3A = arith.constant 1 : i32
      "tpu.region"() ({
        %run_scoped3A_43 = tpu.sem_alloc : memref<!tpu.dma_semaphore, #tpu.memory_space<semaphore_mem>>
        %dma_start3A_44 = arith.constant 0 : i32
        %dma_start3A_45 = tpu.memref_slice %arg9[%run_scoped3A, %dma_start3A_44] : memref<2x400xi32, #tpu.memory_space<vmem>> -> memref<1x400xi32, #tpu.memory_space<vmem>>
        %dma_start3A_46 = tpu.memref_squeeze %dma_start3A_45 : memref<1x400xi32, #tpu.memory_space<vmem>> -> memref<400xi32, #tpu.memory_space<vmem>>
        %dma_start3A_47 = arith.constant 0 : i32
        %dma_start3A_48 = arith.constant 0 : i32
        %dma_start3A_49 = tpu.memref_slice %arg13[%dma_start3A_47, %dma_start3A_48] : memref<50048x32xf32, #tpu.memory_space<vmem_shared>> -> memref<50048x32xf32, #tpu.memory_space<vmem_shared>>
        tpu.enqueue_indirect_dma source(%arg11 : memref<400x32xf32, #tpu.memory_space<vmem>>) target(%dma_start3A_49 : memref<50048x32xf32, #tpu.memory_space<vmem_shared>>) offsets(%dma_start3A_46 : memref<400xi32, #tpu.memory_space<vmem>>) semaphore(%run_scoped3A_43 : memref<!tpu.dma_semaphore, #tpu.memory_space<semaphore_mem>>) {add = true}
        %dma_wait3A_50 = arith.constant 0 : i32
        %dma_wait3A_51 = tpu.memref_slice %arg9[%run_scoped3A, %dma_wait3A_50] : memref<2x400xi32, #tpu.memory_space<vmem>> -> memref<1x400xi32, #tpu.memory_space<vmem>>
        %dma_wait3A_52 = tpu.memref_squeeze %dma_wait3A_51 : memref<1x400xi32, #tpu.memory_space<vmem>> -> memref<400xi32, #tpu.memory_space<vmem>>
        %dma_wait3A_53 = arith.constant 0 : i32
        %dma_wait3A_54 = arith.constant 0 : i32
        %dma_wait3A_55 = tpu.memref_slice %arg13[%dma_wait3A_53, %dma_wait3A_54] : memref<50048x32xf32, #tpu.memory_space<vmem_shared>> -> memref<50048x32xf32, #tpu.memory_space<vmem_shared>>
        tpu.wait_indirect_dma semaphore(%run_scoped3A_43 : memref<!tpu.dma_semaphore, #tpu.memory_space<semaphore_mem>>) src(%arg11 : memref<400x32xf32, #tpu.memory_space<vmem>>) dst(%dma_wait3A_55 : memref<50048x32xf32, #tpu.memory_space<vmem_shared>>)
        tpu.yield
      }) : () -> ()
      %barrier3A_42 = arith.constant 0 : index
      tpu.barrier barrier_id(%barrier3A_42)
      "tpu.region"() ({
        %run_scoped3A_43 = tpu.sem_alloc : memref<!tpu.dma_semaphore, #tpu.memory_space<semaphore_mem>>
        %dma_start3A_44 = arith.constant 0 : i32
        %dma_start3A_45 = tpu.memref_slice %arg7[%mul3A_0, %dma_start3A_44] : memref<50048x32xf32, #tpu.memory_space<hbm>> -> memref<3128x32xf32, #tpu.memory_space<hbm>>
        %dma_start3A_46 = arith.constant 0 : i32
        %dma_start3A_47 = tpu.memref_slice %arg13[%mul3A_0, %dma_start3A_46] : memref<50048x32xf32, #tpu.memory_space<vmem_shared>> -> memref<3128x32xf32, #tpu.memory_space<vmem_shared>>
        tpu.enqueue_dma source(%dma_start3A_47 : memref<3128x32xf32, #tpu.memory_space<vmem_shared>>) target(%dma_start3A_45 : memref<3128x32xf32, #tpu.memory_space<hbm>>) target_semaphore(%run_scoped3A_43 : memref<!tpu.dma_semaphore, #tpu.memory_space<semaphore_mem>>)
        %dma_wait3A_48 = arith.constant 0 : i32
        %dma_wait3A_49 = tpu.memref_slice %arg7[%mul3A_0, %dma_wait3A_48] : memref<50048x32xf32, #tpu.memory_space<hbm>> -> memref<3128x32xf32, #tpu.memory_space<hbm>>
        %dma_wait3A_50 = arith.constant 0 : i32
        %dma_wait3A_51 = tpu.memref_slice %arg13[%mul3A_0, %dma_wait3A_50] : memref<50048x32xf32, #tpu.memory_space<vmem_shared>> -> memref<3128x32xf32, #tpu.memory_space<vmem_shared>>
        tpu.wait_dma2 semaphore(%run_scoped3A_43 : memref<!tpu.dma_semaphore, #tpu.memory_space<semaphore_mem>>) src(%dma_wait3A_51 : memref<3128x32xf32, #tpu.memory_space<vmem_shared>>) dst(%dma_wait3A_49 : memref<3128x32xf32, #tpu.memory_space<hbm>>)
        tpu.yield
      }) : () -> ()
    } else {
    }
    %eq3A_7 = arith.constant 1 : i32
    %eq3A_8 = arith.cmpi eq, %arg0, %eq3A_7 : i32
    %convert_element_type3A_9 = arith.extui %eq3A_8 : i1 to i32
    %cond3A_10 = arith.constant 0 : i32
    %cond3A_11 = arith.cmpi ne, %convert_element_type3A_9, %cond3A_10 : i32
    scf.if %cond3A_11 {
      "tpu.region"() ({
        %run_scoped3A_43 = tpu.sem_alloc : memref<!tpu.dma_semaphore, #tpu.memory_space<semaphore_mem>>
        %dma_start3A_44 = arith.constant 0 : i32
        %dma_start3A_45 = tpu.memref_slice %arg13[%mul3A_0, %dma_start3A_44] : memref<50048x32xf32, #tpu.memory_space<vmem_shared>> -> memref<3128x32xf32, #tpu.memory_space<vmem_shared>>
        tpu.enqueue_dma source(%arg6 : memref<3128x32xf32, #tpu.memory_space<hbm>>) target(%dma_start3A_45 : memref<3128x32xf32, #tpu.memory_space<vmem_shared>>) target_semaphore(%run_scoped3A_43 : memref<!tpu.dma_semaphore, #tpu.memory_space<semaphore_mem>>)
        %dma_wait3A_46 = arith.constant 0 : i32
        %dma_wait3A_47 = tpu.memref_slice %arg13[%mul3A_0, %dma_wait3A_46] : memref<50048x32xf32, #tpu.memory_space<vmem_shared>> -> memref<3128x32xf32, #tpu.memory_space<vmem_shared>>
        tpu.wait_dma2 semaphore(%run_scoped3A_43 : memref<!tpu.dma_semaphore, #tpu.memory_space<semaphore_mem>>) src(%arg6 : memref<3128x32xf32, #tpu.memory_space<hbm>>) dst(%dma_wait3A_47 : memref<3128x32xf32, #tpu.memory_space<vmem_shared>>)
        tpu.yield
      }) : () -> ()
      %barrier3A = arith.constant 0 : index
      tpu.barrier barrier_id(%barrier3A)
      %add3A = arith.constant 0 : i32
      %add3A_12 = arith.addi %mul3A_2, %add3A : i32
      "tpu.region"() ({
        %run_scoped3A_43 = tpu.sem_alloc : memref<!tpu.dma_semaphore, #tpu.memory_space<semaphore_mem>>
        %dma_start3A_44 = arith.constant 0 : i32
        %dma_start3A_45 = tpu.memref_slice %arg2[%dma_start3A_44, %add3A_12] : memref<2x800000xi32, #tpu.memory_space<hbm>> -> memref<2x400xi32, #tpu.memory_space<hbm>>
        %dma_start3A_46 = arith.constant 0 : i32
        %dma_start3A_47 = tpu.memref_slice %arg2[%dma_start3A_46, %add3A_12] : memref<2x800000xi32, #tpu.memory_space<hbm>> -> memref<2x400xi32, #tpu.memory_space<hbm>>
        tpu.enqueue_dma source(%dma_start3A_47 : memref<2x400xi32, #tpu.memory_space<hbm>>) target(%arg9 : memref<2x400xi32, #tpu.memory_space<vmem>>) target_semaphore(%run_scoped3A_43 : memref<!tpu.dma_semaphore, #tpu.memory_space<semaphore_mem>>)
        %dma_wait3A_48 = arith.constant 0 : i32
        %dma_wait3A_49 = tpu.memref_slice %arg2[%dma_wait3A_48, %add3A_12] : memref<2x800000xi32, #tpu.memory_space<hbm>> -> memref<2x400xi32, #tpu.memory_space<hbm>>
        %dma_wait3A_50 = arith.constant 0 : i32
        %dma_wait3A_51 = tpu.memref_slice %arg2[%dma_wait3A_50, %add3A_12] : memref<2x800000xi32, #tpu.memory_space<hbm>> -> memref<2x400xi32, #tpu.memory_space<hbm>>
        tpu.wait_dma2 semaphore(%run_scoped3A_43 : memref<!tpu.dma_semaphore, #tpu.memory_space<semaphore_mem>>) src(%dma_wait3A_51 : memref<2x400xi32, #tpu.memory_space<hbm>>) dst(%arg9 : memref<2x400xi32, #tpu.memory_space<vmem>>)
        tpu.yield
      }) : () -> ()
      %eq3A_13 = arith.constant 0 : i32
      %eq3A_14 = arith.cmpi eq, %squeeze3A, %eq3A_13 : i32
      %convert_element_type3A_15 = arith.extui %eq3A_14 : i1 to i32
      %cond3A_16 = arith.constant 0 : i32
      %cond3A_17 = arith.cmpi ne, %convert_element_type3A_15, %cond3A_16 : i32
      scf.if %cond3A_17 {
        %add3A_43 = arith.constant 0 : i32
        %add3A_44 = arith.addi %mul3A_2, %add3A_43 : i32
        %run_scoped3A_45 = arith.constant 0 : i32
        %run_scoped3A_46 = arith.constant 1 : i32
        "tpu.region"() ({
          %run_scoped3A_47 = tpu.sem_alloc : memref<!tpu.dma_semaphore, #tpu.memory_space<semaphore_mem>>
          %dma_start3A_48 = arith.constant 0 : i32
          %dma_start3A_49 = tpu.memref_slice %arg9[%run_scoped3A_46, %dma_start3A_48] : memref<2x400xi32, #tpu.memory_space<vmem>> -> memref<1x400xi32, #tpu.memory_space<vmem>>
          %dma_start3A_50 = tpu.memref_squeeze %dma_start3A_49 : memref<1x400xi32, #tpu.memory_space<vmem>> -> memref<400xi32, #tpu.memory_space<vmem>>
          %dma_start3A_51 = tpu.memref_slice %arg2[%run_scoped3A_45, %add3A_44] : memref<2x800000xi32, #tpu.memory_space<hbm>> -> memref<1x400xi32, #tpu.memory_space<hbm>>
          %dma_start3A_52 = tpu.memref_squeeze %dma_start3A_51 : memref<1x400xi32, #tpu.memory_space<hbm>> -> memref<400xi32, #tpu.memory_space<hbm>>
          %dma_start3A_53 = arith.constant 0 : i32
          %dma_start3A_54 = tpu.memref_slice %arg9[%run_scoped3A_46, %dma_start3A_53] : memref<2x400xi32, #tpu.memory_space<vmem>> -> memref<1x400xi32, #tpu.memory_space<vmem>>
          %dma_start3A_55 = tpu.memref_squeeze %dma_start3A_54 : memref<1x400xi32, #tpu.memory_space<vmem>> -> memref<400xi32, #tpu.memory_space<vmem>>
          %dma_start3A_56 = tpu.memref_slice %arg2[%run_scoped3A_45, %add3A_44] : memref<2x800000xi32, #tpu.memory_space<hbm>> -> memref<1x400xi32, #tpu.memory_space<hbm>>
          %dma_start3A_57 = tpu.memref_squeeze %dma_start3A_56 : memref<1x400xi32, #tpu.memory_space<hbm>> -> memref<400xi32, #tpu.memory_space<hbm>>
          tpu.enqueue_dma source(%dma_start3A_57 : memref<400xi32, #tpu.memory_space<hbm>>) target(%dma_start3A_55 : memref<400xi32, #tpu.memory_space<vmem>>) target_semaphore(%run_scoped3A_47 : memref<!tpu.dma_semaphore, #tpu.memory_space<semaphore_mem>>)
          %dma_wait3A_58 = arith.constant 0 : i32
          %dma_wait3A_59 = tpu.memref_slice %arg9[%run_scoped3A_46, %dma_wait3A_58] : memref<2x400xi32, #tpu.memory_space<vmem>> -> memref<1x400xi32, #tpu.memory_space<vmem>>
          %dma_wait3A_60 = tpu.memref_squeeze %dma_wait3A_59 : memref<1x400xi32, #tpu.memory_space<vmem>> -> memref<400xi32, #tpu.memory_space<vmem>>
          %dma_wait3A_61 = tpu.memref_slice %arg2[%run_scoped3A_45, %add3A_44] : memref<2x800000xi32, #tpu.memory_space<hbm>> -> memref<1x400xi32, #tpu.memory_space<hbm>>
          %dma_wait3A_62 = tpu.memref_squeeze %dma_wait3A_61 : memref<1x400xi32, #tpu.memory_space<hbm>> -> memref<400xi32, #tpu.memory_space<hbm>>
          %dma_wait3A_63 = arith.constant 0 : i32
          %dma_wait3A_64 = tpu.memref_slice %arg9[%run_scoped3A_46, %dma_wait3A_63] : memref<2x400xi32, #tpu.memory_space<vmem>> -> memref<1x400xi32, #tpu.memory_space<vmem>>
          %dma_wait3A_65 = tpu.memref_squeeze %dma_wait3A_64 : memref<1x400xi32, #tpu.memory_space<vmem>> -> memref<400xi32, #tpu.memory_space<vmem>>
          %dma_wait3A_66 = tpu.memref_slice %arg2[%run_scoped3A_45, %add3A_44] : memref<2x800000xi32, #tpu.memory_space<hbm>> -> memref<1x400xi32, #tpu.memory_space<hbm>>
          %dma_wait3A_67 = tpu.memref_squeeze %dma_wait3A_66 : memref<1x400xi32, #tpu.memory_space<hbm>> -> memref<400xi32, #tpu.memory_space<hbm>>
          tpu.wait_dma2 semaphore(%run_scoped3A_47 : memref<!tpu.dma_semaphore, #tpu.memory_space<semaphore_mem>>) src(%dma_wait3A_67 : memref<400xi32, #tpu.memory_space<hbm>>) dst(%dma_wait3A_65 : memref<400xi32, #tpu.memory_space<vmem>>)
          tpu.yield
        }) : () -> ()
      } else {
      }
      %dma_start3A = arith.constant 0 : i32
      %dma_start3A_18 = arith.constant 0 : i32
      %dma_start3A_19 = tpu.memref_slice %arg9[%dma_start3A, %dma_start3A_18] : memref<2x400xi32, #tpu.memory_space<vmem>> -> memref<1x400xi32, #tpu.memory_space<vmem>>
      %dma_start3A_20 = tpu.memref_squeeze %dma_start3A_19 : memref<1x400xi32, #tpu.memory_space<vmem>> -> memref<400xi32, #tpu.memory_space<vmem>>
      %dma_start3A_21 = arith.constant 0 : i32
      %dma_start3A_22 = arith.constant 0 : i32
      %dma_start3A_23 = tpu.memref_slice %arg5[%dma_start3A_21, %dma_start3A_22] : memref<50048x32xf32, #tpu.memory_space<hbm>> -> memref<50048x32xf32, #tpu.memory_space<hbm>>
      tpu.enqueue_indirect_dma source(%dma_start3A_23 : memref<50048x32xf32, #tpu.memory_space<hbm>>) target(%arg11 : memref<400x32xf32, #tpu.memory_space<vmem>>) offsets(%dma_start3A_20 : memref<400xi32, #tpu.memory_space<vmem>>) semaphore(%arg15 : memref<!tpu.dma_semaphore, #tpu.memory_space<semaphore_mem>>)
      %add3A_24 = arith.constant 400 : i32
      %add3A_25 = arith.addi %mul3A_2, %add3A_24 : i32
      "tpu.region"() ({
        %run_scoped3A_43 = tpu.sem_alloc : memref<!tpu.dma_semaphore, #tpu.memory_space<semaphore_mem>>
        %dma_start3A_44 = arith.constant 0 : i32
        %dma_start3A_45 = tpu.memref_slice %arg2[%dma_start3A_44, %add3A_25] : memref<2x800000xi32, #tpu.memory_space<hbm>> -> memref<2x400xi32, #tpu.memory_space<hbm>>
        %dma_start3A_46 = arith.constant 0 : i32
        %dma_start3A_47 = tpu.memref_slice %arg2[%dma_start3A_46, %add3A_25] : memref<2x800000xi32, #tpu.memory_space<hbm>> -> memref<2x400xi32, #tpu.memory_space<hbm>>
        tpu.enqueue_dma source(%dma_start3A_47 : memref<2x400xi32, #tpu.memory_space<hbm>>) target(%arg10 : memref<2x400xi32, #tpu.memory_space<vmem>>) target_semaphore(%run_scoped3A_43 : memref<!tpu.dma_semaphore, #tpu.memory_space<semaphore_mem>>)
        %dma_wait3A_48 = arith.constant 0 : i32
        %dma_wait3A_49 = tpu.memref_slice %arg2[%dma_wait3A_48, %add3A_25] : memref<2x800000xi32, #tpu.memory_space<hbm>> -> memref<2x400xi32, #tpu.memory_space<hbm>>
        %dma_wait3A_50 = arith.constant 0 : i32
        %dma_wait3A_51 = tpu.memref_slice %arg2[%dma_wait3A_50, %add3A_25] : memref<2x800000xi32, #tpu.memory_space<hbm>> -> memref<2x400xi32, #tpu.memory_space<hbm>>
        tpu.wait_dma2 semaphore(%run_scoped3A_43 : memref<!tpu.dma_semaphore, #tpu.memory_space<semaphore_mem>>) src(%dma_wait3A_51 : memref<2x400xi32, #tpu.memory_space<hbm>>) dst(%arg10 : memref<2x400xi32, #tpu.memory_space<vmem>>)
        tpu.yield
      }) : () -> ()
      %eq3A_26 = arith.constant 0 : i32
      %eq3A_27 = arith.cmpi eq, %squeeze3A, %eq3A_26 : i32
      %convert_element_type3A_28 = arith.extui %eq3A_27 : i1 to i32
      %cond3A_29 = arith.constant 0 : i32
      %cond3A_30 = arith.cmpi ne, %convert_element_type3A_28, %cond3A_29 : i32
      scf.if %cond3A_30 {
        %add3A_43 = arith.constant 400 : i32
        %add3A_44 = arith.addi %mul3A_2, %add3A_43 : i32
        %run_scoped3A_45 = arith.constant 0 : i32
        %run_scoped3A_46 = arith.constant 1 : i32
        "tpu.region"() ({
          %run_scoped3A_47 = tpu.sem_alloc : memref<!tpu.dma_semaphore, #tpu.memory_space<semaphore_mem>>
          %dma_start3A_48 = arith.constant 0 : i32
          %dma_start3A_49 = tpu.memref_slice %arg10[%run_scoped3A_46, %dma_start3A_48] : memref<2x400xi32, #tpu.memory_space<vmem>> -> memref<1x400xi32, #tpu.memory_space<vmem>>
          %dma_start3A_50 = tpu.memref_squeeze %dma_start3A_49 : memref<1x400xi32, #tpu.memory_space<vmem>> -> memref<400xi32, #tpu.memory_space<vmem>>
          %dma_start3A_51 = tpu.memref_slice %arg2[%run_scoped3A_45, %add3A_44] : memref<2x800000xi32, #tpu.memory_space<hbm>> -> memref<1x400xi32, #tpu.memory_space<hbm>>
          %dma_start3A_52 = tpu.memref_squeeze %dma_start3A_51 : memref<1x400xi32, #tpu.memory_space<hbm>> -> memref<400xi32, #tpu.memory_space<hbm>>
          %dma_start3A_53 = arith.constant 0 : i32
          %dma_start3A_54 = tpu.memref_slice %arg10[%run_scoped3A_46, %dma_start3A_53] : memref<2x400xi32, #tpu.memory_space<vmem>> -> memref<1x400xi32, #tpu.memory_space<vmem>>
          %dma_start3A_55 = tpu.memref_squeeze %dma_start3A_54 : memref<1x400xi32, #tpu.memory_space<vmem>> -> memref<400xi32, #tpu.memory_space<vmem>>
          %dma_start3A_56 = tpu.memref_slice %arg2[%run_scoped3A_45, %add3A_44] : memref<2x800000xi32, #tpu.memory_space<hbm>> -> memref<1x400xi32, #tpu.memory_space<hbm>>
          %dma_start3A_57 = tpu.memref_squeeze %dma_start3A_56 : memref<1x400xi32, #tpu.memory_space<hbm>> -> memref<400xi32, #tpu.memory_space<hbm>>
          tpu.enqueue_dma source(%dma_start3A_57 : memref<400xi32, #tpu.memory_space<hbm>>) target(%dma_start3A_55 : memref<400xi32, #tpu.memory_space<vmem>>) target_semaphore(%run_scoped3A_47 : memref<!tpu.dma_semaphore, #tpu.memory_space<semaphore_mem>>)
          %dma_wait3A_58 = arith.constant 0 : i32
          %dma_wait3A_59 = tpu.memref_slice %arg10[%run_scoped3A_46, %dma_wait3A_58] : memref<2x400xi32, #tpu.memory_space<vmem>> -> memref<1x400xi32, #tpu.memory_space<vmem>>
          %dma_wait3A_60 = tpu.memref_squeeze %dma_wait3A_59 : memref<1x400xi32, #tpu.memory_space<vmem>> -> memref<400xi32, #tpu.memory_space<vmem>>
          %dma_wait3A_61 = tpu.memref_slice %arg2[%run_scoped3A_45, %add3A_44] : memref<2x800000xi32, #tpu.memory_space<hbm>> -> memref<1x400xi32, #tpu.memory_space<hbm>>
          %dma_wait3A_62 = tpu.memref_squeeze %dma_wait3A_61 : memref<1x400xi32, #tpu.memory_space<hbm>> -> memref<400xi32, #tpu.memory_space<hbm>>
          %dma_wait3A_63 = arith.constant 0 : i32
          %dma_wait3A_64 = tpu.memref_slice %arg10[%run_scoped3A_46, %dma_wait3A_63] : memref<2x400xi32, #tpu.memory_space<vmem>> -> memref<1x400xi32, #tpu.memory_space<vmem>>
          %dma_wait3A_65 = tpu.memref_squeeze %dma_wait3A_64 : memref<1x400xi32, #tpu.memory_space<vmem>> -> memref<400xi32, #tpu.memory_space<vmem>>
          %dma_wait3A_66 = tpu.memref_slice %arg2[%run_scoped3A_45, %add3A_44] : memref<2x800000xi32, #tpu.memory_space<hbm>> -> memref<1x400xi32, #tpu.memory_space<hbm>>
          %dma_wait3A_67 = tpu.memref_squeeze %dma_wait3A_66 : memref<1x400xi32, #tpu.memory_space<hbm>> -> memref<400xi32, #tpu.memory_space<hbm>>
          tpu.wait_dma2 semaphore(%run_scoped3A_47 : memref<!tpu.dma_semaphore, #tpu.memory_space<semaphore_mem>>) src(%dma_wait3A_67 : memref<400xi32, #tpu.memory_space<hbm>>) dst(%dma_wait3A_65 : memref<400xi32, #tpu.memory_space<vmem>>)
          tpu.yield
        }) : () -> ()
      } else {
      }
      %scan3A = arith.constant 0 : i32
      %scan3A_31 = arith.constant 0 : i32
      %scan3A_32 = arith.constant 62 : i32
      %scan3A_33 = arith.addi %scan3A_31, %scan3A_32 : i32
      %scan3A_34 = arith.constant 1 : i32
      scf.for %scan3A_43 = %scan3A_31 to %scan3A_33 step %scan3A_34  : i32 {
        %mul3A_44 = arith.constant 2 : i32
        %mul3A_45 = arith.muli %mul3A_44, %scan3A_43 : i32
        %add3A_46 = arith.constant 1 : i32
        %add3A_47 = arith.addi %mul3A_45, %add3A_46 : i32
        %dma_start3A_48 = arith.constant 0 : i32
        %dma_start3A_49 = arith.constant 0 : i32
        %dma_start3A_50 = tpu.memref_slice %arg10[%dma_start3A_48, %dma_start3A_49] : memref<2x400xi32, #tpu.memory_space<vmem>> -> memref<1x400xi32, #tpu.memory_space<vmem>>
        %dma_start3A_51 = tpu.memref_squeeze %dma_start3A_50 : memref<1x400xi32, #tpu.memory_space<vmem>> -> memref<400xi32, #tpu.memory_space<vmem>>
        %dma_start3A_52 = arith.constant 0 : i32
        %dma_start3A_53 = arith.constant 0 : i32
        %dma_start3A_54 = tpu.memref_slice %arg5[%dma_start3A_52, %dma_start3A_53] : memref<50048x32xf32, #tpu.memory_space<hbm>> -> memref<50048x32xf32, #tpu.memory_space<hbm>>
        tpu.enqueue_indirect_dma source(%dma_start3A_54 : memref<50048x32xf32, #tpu.memory_space<hbm>>) target(%arg12 : memref<400x32xf32, #tpu.memory_space<vmem>>) offsets(%dma_start3A_51 : memref<400xi32, #tpu.memory_space<vmem>>) semaphore(%arg16 : memref<!tpu.dma_semaphore, #tpu.memory_space<semaphore_mem>>)
        %dma_wait3A_55 = arith.constant 0 : i32
        %dma_wait3A_56 = arith.constant 0 : i32
        %dma_wait3A_57 = tpu.memref_slice %arg9[%dma_wait3A_55, %dma_wait3A_56] : memref<2x400xi32, #tpu.memory_space<vmem>> -> memref<1x400xi32, #tpu.memory_space<vmem>>
        %dma_wait3A_58 = tpu.memref_squeeze %dma_wait3A_57 : memref<1x400xi32, #tpu.memory_space<vmem>> -> memref<400xi32, #tpu.memory_space<vmem>>
        %dma_wait3A_59 = arith.constant 0 : i32
        %dma_wait3A_60 = arith.constant 0 : i32
        %dma_wait3A_61 = tpu.memref_slice %arg5[%dma_wait3A_59, %dma_wait3A_60] : memref<50048x32xf32, #tpu.memory_space<hbm>> -> memref<50048x32xf32, #tpu.memory_space<hbm>>
        tpu.wait_indirect_dma semaphore(%arg15 : memref<!tpu.dma_semaphore, #tpu.memory_space<semaphore_mem>>) src(%dma_wait3A_61 : memref<50048x32xf32, #tpu.memory_space<hbm>>) dst(%arg11 : memref<400x32xf32, #tpu.memory_space<vmem>>)
        %run_scoped3A_62 = arith.constant 1 : i32
        "tpu.region"() ({
          %run_scoped3A_94 = tpu.sem_alloc : memref<!tpu.dma_semaphore, #tpu.memory_space<semaphore_mem>>
          %dma_start3A_95 = arith.constant 0 : i32
          %dma_start3A_96 = tpu.memref_slice %arg9[%run_scoped3A_62, %dma_start3A_95] : memref<2x400xi32, #tpu.memory_space<vmem>> -> memref<1x400xi32, #tpu.memory_space<vmem>>
          %dma_start3A_97 = tpu.memref_squeeze %dma_start3A_96 : memref<1x400xi32, #tpu.memory_space<vmem>> -> memref<400xi32, #tpu.memory_space<vmem>>
          %dma_start3A_98 = arith.constant 0 : i32
          %dma_start3A_99 = arith.constant 0 : i32
          %dma_start3A_100 = tpu.memref_slice %arg13[%dma_start3A_98, %dma_start3A_99] : memref<50048x32xf32, #tpu.memory_space<vmem_shared>> -> memref<50048x32xf32, #tpu.memory_space<vmem_shared>>
          tpu.enqueue_indirect_dma source(%arg11 : memref<400x32xf32, #tpu.memory_space<vmem>>) target(%dma_start3A_100 : memref<50048x32xf32, #tpu.memory_space<vmem_shared>>) offsets(%dma_start3A_97 : memref<400xi32, #tpu.memory_space<vmem>>) semaphore(%run_scoped3A_94 : memref<!tpu.dma_semaphore, #tpu.memory_space<semaphore_mem>>) {add = true}
          %dma_wait3A_101 = arith.constant 0 : i32
          %dma_wait3A_102 = tpu.memref_slice %arg9[%run_scoped3A_62, %dma_wait3A_101] : memref<2x400xi32, #tpu.memory_space<vmem>> -> memref<1x400xi32, #tpu.memory_space<vmem>>
          %dma_wait3A_103 = tpu.memref_squeeze %dma_wait3A_102 : memref<1x400xi32, #tpu.memory_space<vmem>> -> memref<400xi32, #tpu.memory_space<vmem>>
          %dma_wait3A_104 = arith.constant 0 : i32
          %dma_wait3A_105 = arith.constant 0 : i32
          %dma_wait3A_106 = tpu.memref_slice %arg13[%dma_wait3A_104, %dma_wait3A_105] : memref<50048x32xf32, #tpu.memory_space<vmem_shared>> -> memref<50048x32xf32, #tpu.memory_space<vmem_shared>>
          tpu.wait_indirect_dma semaphore(%run_scoped3A_94 : memref<!tpu.dma_semaphore, #tpu.memory_space<semaphore_mem>>) src(%arg11 : memref<400x32xf32, #tpu.memory_space<vmem>>) dst(%dma_wait3A_106 : memref<50048x32xf32, #tpu.memory_space<vmem_shared>>)
          tpu.yield
        }) : () -> ()
        %add3A_63 = arith.constant 1 : i32
        %add3A_64 = arith.addi %add3A_47, %add3A_63 : i32
        %mul3A_65 = arith.constant 400 : i32
        %mul3A_66 = arith.muli %add3A_64, %mul3A_65 : i32
        %add3A_67 = arith.addi %mul3A_2, %mul3A_66 : i32
        "tpu.region"() ({
          %run_scoped3A_94 = tpu.sem_alloc : memref<!tpu.dma_semaphore, #tpu.memory_space<semaphore_mem>>
          %dma_start3A_95 = arith.constant 0 : i32
          %dma_start3A_96 = tpu.memref_slice %arg2[%dma_start3A_95, %add3A_67] : memref<2x800000xi32, #tpu.memory_space<hbm>> -> memref<2x400xi32, #tpu.memory_space<hbm>>
          %dma_start3A_97 = arith.constant 0 : i32
          %dma_start3A_98 = tpu.memref_slice %arg2[%dma_start3A_97, %add3A_67] : memref<2x800000xi32, #tpu.memory_space<hbm>> -> memref<2x400xi32, #tpu.memory_space<hbm>>
          tpu.enqueue_dma source(%dma_start3A_98 : memref<2x400xi32, #tpu.memory_space<hbm>>) target(%arg9 : memref<2x400xi32, #tpu.memory_space<vmem>>) target_semaphore(%run_scoped3A_94 : memref<!tpu.dma_semaphore, #tpu.memory_space<semaphore_mem>>)
          %dma_wait3A_99 = arith.constant 0 : i32
          %dma_wait3A_100 = tpu.memref_slice %arg2[%dma_wait3A_99, %add3A_67] : memref<2x800000xi32, #tpu.memory_space<hbm>> -> memref<2x400xi32, #tpu.memory_space<hbm>>
          %dma_wait3A_101 = arith.constant 0 : i32
          %dma_wait3A_102 = tpu.memref_slice %arg2[%dma_wait3A_101, %add3A_67] : memref<2x800000xi32, #tpu.memory_space<hbm>> -> memref<2x400xi32, #tpu.memory_space<hbm>>
          tpu.wait_dma2 semaphore(%run_scoped3A_94 : memref<!tpu.dma_semaphore, #tpu.memory_space<semaphore_mem>>) src(%dma_wait3A_102 : memref<2x400xi32, #tpu.memory_space<hbm>>) dst(%arg9 : memref<2x400xi32, #tpu.memory_space<vmem>>)
          tpu.yield
        }) : () -> ()
        %eq3A_68 = arith.constant 0 : i32
        %eq3A_69 = arith.cmpi eq, %squeeze3A, %eq3A_68 : i32
        %convert_element_type3A_70 = arith.extui %eq3A_69 : i1 to i32
        %cond3A_71 = arith.constant 0 : i32
        %cond3A_72 = arith.cmpi ne, %convert_element_type3A_70, %cond3A_71 : i32
        scf.if %cond3A_72 {
          %mul3A_94 = arith.constant 400 : i32
          %mul3A_95 = arith.muli %add3A_64, %mul3A_94 : i32
          %add3A_96 = arith.addi %mul3A_2, %mul3A_95 : i32
          %run_scoped3A_97 = arith.constant 0 : i32
          %run_scoped3A_98 = arith.constant 1 : i32
          "tpu.region"() ({
            %run_scoped3A_99 = tpu.sem_alloc : memref<!tpu.dma_semaphore, #tpu.memory_space<semaphore_mem>>
            %dma_start3A_100 = arith.constant 0 : i32
            %dma_start3A_101 = tpu.memref_slice %arg9[%run_scoped3A_98, %dma_start3A_100] : memref<2x400xi32, #tpu.memory_space<vmem>> -> memref<1x400xi32, #tpu.memory_space<vmem>>
            %dma_start3A_102 = tpu.memref_squeeze %dma_start3A_101 : memref<1x400xi32, #tpu.memory_space<vmem>> -> memref<400xi32, #tpu.memory_space<vmem>>
            %dma_start3A_103 = tpu.memref_slice %arg2[%run_scoped3A_97, %add3A_96] : memref<2x800000xi32, #tpu.memory_space<hbm>> -> memref<1x400xi32, #tpu.memory_space<hbm>>
            %dma_start3A_104 = tpu.memref_squeeze %dma_start3A_103 : memref<1x400xi32, #tpu.memory_space<hbm>> -> memref<400xi32, #tpu.memory_space<hbm>>
            %dma_start3A_105 = arith.constant 0 : i32
            %dma_start3A_106 = tpu.memref_slice %arg9[%run_scoped3A_98, %dma_start3A_105] : memref<2x400xi32, #tpu.memory_space<vmem>> -> memref<1x400xi32, #tpu.memory_space<vmem>>
            %dma_start3A_107 = tpu.memref_squeeze %dma_start3A_106 : memref<1x400xi32, #tpu.memory_space<vmem>> -> memref<400xi32, #tpu.memory_space<vmem>>
            %dma_start3A_108 = tpu.memref_slice %arg2[%run_scoped3A_97, %add3A_96] : memref<2x800000xi32, #tpu.memory_space<hbm>> -> memref<1x400xi32, #tpu.memory_space<hbm>>
            %dma_start3A_109 = tpu.memref_squeeze %dma_start3A_108 : memref<1x400xi32, #tpu.memory_space<hbm>> -> memref<400xi32, #tpu.memory_space<hbm>>
            tpu.enqueue_dma source(%dma_start3A_109 : memref<400xi32, #tpu.memory_space<hbm>>) target(%dma_start3A_107 : memref<400xi32, #tpu.memory_space<vmem>>) target_semaphore(%run_scoped3A_99 : memref<!tpu.dma_semaphore, #tpu.memory_space<semaphore_mem>>)
            %dma_wait3A_110 = arith.constant 0 : i32
            %dma_wait3A_111 = tpu.memref_slice %arg9[%run_scoped3A_98, %dma_wait3A_110] : memref<2x400xi32, #tpu.memory_space<vmem>> -> memref<1x400xi32, #tpu.memory_space<vmem>>
            %dma_wait3A_112 = tpu.memref_squeeze %dma_wait3A_111 : memref<1x400xi32, #tpu.memory_space<vmem>> -> memref<400xi32, #tpu.memory_space<vmem>>
            %dma_wait3A_113 = tpu.memref_slice %arg2[%run_scoped3A_97, %add3A_96] : memref<2x800000xi32, #tpu.memory_space<hbm>> -> memref<1x400xi32, #tpu.memory_space<hbm>>
            %dma_wait3A_114 = tpu.memref_squeeze %dma_wait3A_113 : memref<1x400xi32, #tpu.memory_space<hbm>> -> memref<400xi32, #tpu.memory_space<hbm>>
            %dma_wait3A_115 = arith.constant 0 : i32
            %dma_wait3A_116 = tpu.memref_slice %arg9[%run_scoped3A_98, %dma_wait3A_115] : memref<2x400xi32, #tpu.memory_space<vmem>> -> memref<1x400xi32, #tpu.memory_space<vmem>>
            %dma_wait3A_117 = tpu.memref_squeeze %dma_wait3A_116 : memref<1x400xi32, #tpu.memory_space<vmem>> -> memref<400xi32, #tpu.memory_space<vmem>>
            %dma_wait3A_118 = tpu.memref_slice %arg2[%run_scoped3A_97, %add3A_96] : memref<2x800000xi32, #tpu.memory_space<hbm>> -> memref<1x400xi32, #tpu.memory_space<hbm>>
            %dma_wait3A_119 = tpu.memref_squeeze %dma_wait3A_118 : memref<1x400xi32, #tpu.memory_space<hbm>> -> memref<400xi32, #tpu.memory_space<hbm>>
            tpu.wait_dma2 semaphore(%run_scoped3A_99 : memref<!tpu.dma_semaphore, #tpu.memory_space<semaphore_mem>>) src(%dma_wait3A_119 : memref<400xi32, #tpu.memory_space<hbm>>) dst(%dma_wait3A_117 : memref<400xi32, #tpu.memory_space<vmem>>)
            tpu.yield
          }) : () -> ()
        } else {
        }
        %dma_start3A_73 = arith.constant 0 : i32
        %dma_start3A_74 = arith.constant 0 : i32
        %dma_start3A_75 = tpu.memref_slice %arg9[%dma_start3A_73, %dma_start3A_74] : memref<2x400xi32, #tpu.memory_space<vmem>> -> memref<1x400xi32, #tpu.memory_space<vmem>>
        %dma_start3A_76 = tpu.memref_squeeze %dma_start3A_75 : memref<1x400xi32, #tpu.memory_space<vmem>> -> memref<400xi32, #tpu.memory_space<vmem>>
        %dma_start3A_77 = arith.constant 0 : i32
        %dma_start3A_78 = arith.constant 0 : i32
        %dma_start3A_79 = tpu.memref_slice %arg5[%dma_start3A_77, %dma_start3A_78] : memref<50048x32xf32, #tpu.memory_space<hbm>> -> memref<50048x32xf32, #tpu.memory_space<hbm>>
        tpu.enqueue_indirect_dma source(%dma_start3A_79 : memref<50048x32xf32, #tpu.memory_space<hbm>>) target(%arg11 : memref<400x32xf32, #tpu.memory_space<vmem>>) offsets(%dma_start3A_76 : memref<400xi32, #tpu.memory_space<vmem>>) semaphore(%arg15 : memref<!tpu.dma_semaphore, #tpu.memory_space<semaphore_mem>>)
        %dma_wait3A_80 = arith.constant 0 : i32
        %dma_wait3A_81 = arith.constant 0 : i32
        %dma_wait3A_82 = tpu.memref_slice %arg10[%dma_wait3A_80, %dma_wait3A_81] : memref<2x400xi32, #tpu.memory_space<vmem>> -> memref<1x400xi32, #tpu.memory_space<vmem>>
        %dma_wait3A_83 = tpu.memref_squeeze %dma_wait3A_82 : memref<1x400xi32, #tpu.memory_space<vmem>> -> memref<400xi32, #tpu.memory_space<vmem>>
        %dma_wait3A_84 = arith.constant 0 : i32
        %dma_wait3A_85 = arith.constant 0 : i32
        %dma_wait3A_86 = tpu.memref_slice %arg5[%dma_wait3A_84, %dma_wait3A_85] : memref<50048x32xf32, #tpu.memory_space<hbm>> -> memref<50048x32xf32, #tpu.memory_space<hbm>>
        tpu.wait_indirect_dma semaphore(%arg16 : memref<!tpu.dma_semaphore, #tpu.memory_space<semaphore_mem>>) src(%dma_wait3A_86 : memref<50048x32xf32, #tpu.memory_space<hbm>>) dst(%arg12 : memref<400x32xf32, #tpu.memory_space<vmem>>)
        %run_scoped3A_87 = arith.constant 1 : i32
        "tpu.region"() ({
          %run_scoped3A_94 = tpu.sem_alloc : memref<!tpu.dma_semaphore, #tpu.memory_space<semaphore_mem>>
          %dma_start3A_95 = arith.constant 0 : i32
          %dma_start3A_96 = tpu.memref_slice %arg10[%run_scoped3A_87, %dma_start3A_95] : memref<2x400xi32, #tpu.memory_space<vmem>> -> memref<1x400xi32, #tpu.memory_space<vmem>>
          %dma_start3A_97 = tpu.memref_squeeze %dma_start3A_96 : memref<1x400xi32, #tpu.memory_space<vmem>> -> memref<400xi32, #tpu.memory_space<vmem>>
          %dma_start3A_98 = arith.constant 0 : i32
          %dma_start3A_99 = arith.constant 0 : i32
          %dma_start3A_100 = tpu.memref_slice %arg13[%dma_start3A_98, %dma_start3A_99] : memref<50048x32xf32, #tpu.memory_space<vmem_shared>> -> memref<50048x32xf32, #tpu.memory_space<vmem_shared>>
          tpu.enqueue_indirect_dma source(%arg12 : memref<400x32xf32, #tpu.memory_space<vmem>>) target(%dma_start3A_100 : memref<50048x32xf32, #tpu.memory_space<vmem_shared>>) offsets(%dma_start3A_97 : memref<400xi32, #tpu.memory_space<vmem>>) semaphore(%run_scoped3A_94 : memref<!tpu.dma_semaphore, #tpu.memory_space<semaphore_mem>>) {add = true}
          %dma_wait3A_101 = arith.constant 0 : i32
          %dma_wait3A_102 = tpu.memref_slice %arg10[%run_scoped3A_87, %dma_wait3A_101] : memref<2x400xi32, #tpu.memory_space<vmem>> -> memref<1x400xi32, #tpu.memory_space<vmem>>
          %dma_wait3A_103 = tpu.memref_squeeze %dma_wait3A_102 : memref<1x400xi32, #tpu.memory_space<vmem>> -> memref<400xi32, #tpu.memory_space<vmem>>
          %dma_wait3A_104 = arith.constant 0 : i32
          %dma_wait3A_105 = arith.constant 0 : i32
          %dma_wait3A_106 = tpu.memref_slice %arg13[%dma_wait3A_104, %dma_wait3A_105] : memref<50048x32xf32, #tpu.memory_space<vmem_shared>> -> memref<50048x32xf32, #tpu.memory_space<vmem_shared>>
          tpu.wait_indirect_dma semaphore(%run_scoped3A_94 : memref<!tpu.dma_semaphore, #tpu.memory_space<semaphore_mem>>) src(%arg12 : memref<400x32xf32, #tpu.memory_space<vmem>>) dst(%dma_wait3A_106 : memref<50048x32xf32, #tpu.memory_space<vmem_shared>>)
          tpu.yield
        }) : () -> ()
        %add3A_88 = arith.constant 2 : i32
        %add3A_89 = arith.addi %add3A_47, %add3A_88 : i32
        %lt3A = arith.constant 125 : i32
        %lt3A_90 = arith.cmpi slt, %add3A_89, %lt3A : i32
        %convert_element_type3A_91 = arith.extui %lt3A_90 : i1 to i32
        %cond3A_92 = arith.constant 0 : i32
        %cond3A_93 = arith.cmpi ne, %convert_element_type3A_91, %cond3A_92 : i32
        scf.if %cond3A_93 {
          %add3A_94 = arith.constant 2 : i32
          %add3A_95 = arith.addi %add3A_47, %add3A_94 : i32
          %mul3A_96 = arith.constant 400 : i32
          %mul3A_97 = arith.muli %add3A_95, %mul3A_96 : i32
          %add3A_98 = arith.addi %mul3A_2, %mul3A_97 : i32
          "tpu.region"() ({
            %run_scoped3A_104 = tpu.sem_alloc : memref<!tpu.dma_semaphore, #tpu.memory_space<semaphore_mem>>
            %dma_start3A_105 = arith.constant 0 : i32
            %dma_start3A_106 = tpu.memref_slice %arg2[%dma_start3A_105, %add3A_98] : memref<2x800000xi32, #tpu.memory_space<hbm>> -> memref<2x400xi32, #tpu.memory_space<hbm>>
            %dma_start3A_107 = arith.constant 0 : i32
            %dma_start3A_108 = tpu.memref_slice %arg2[%dma_start3A_107, %add3A_98] : memref<2x800000xi32, #tpu.memory_space<hbm>> -> memref<2x400xi32, #tpu.memory_space<hbm>>
            tpu.enqueue_dma source(%dma_start3A_108 : memref<2x400xi32, #tpu.memory_space<hbm>>) target(%arg10 : memref<2x400xi32, #tpu.memory_space<vmem>>) target_semaphore(%run_scoped3A_104 : memref<!tpu.dma_semaphore, #tpu.memory_space<semaphore_mem>>)
            %dma_wait3A_109 = arith.constant 0 : i32
            %dma_wait3A_110 = tpu.memref_slice %arg2[%dma_wait3A_109, %add3A_98] : memref<2x800000xi32, #tpu.memory_space<hbm>> -> memref<2x400xi32, #tpu.memory_space<hbm>>
            %dma_wait3A_111 = arith.constant 0 : i32
            %dma_wait3A_112 = tpu.memref_slice %arg2[%dma_wait3A_111, %add3A_98] : memref<2x800000xi32, #tpu.memory_space<hbm>> -> memref<2x400xi32, #tpu.memory_space<hbm>>
            tpu.wait_dma2 semaphore(%run_scoped3A_104 : memref<!tpu.dma_semaphore, #tpu.memory_space<semaphore_mem>>) src(%dma_wait3A_112 : memref<2x400xi32, #tpu.memory_space<hbm>>) dst(%arg10 : memref<2x400xi32, #tpu.memory_space<vmem>>)
            tpu.yield
          }) : () -> ()
          %eq3A_99 = arith.constant 0 : i32
          %eq3A_100 = arith.cmpi eq, %squeeze3A, %eq3A_99 : i32
          %convert_element_type3A_101 = arith.extui %eq3A_100 : i1 to i32
          %cond3A_102 = arith.constant 0 : i32
          %cond3A_103 = arith.cmpi ne, %convert_element_type3A_101, %cond3A_102 : i32
          scf.if %cond3A_103 {
            %mul3A_104 = arith.constant 400 : i32
            %mul3A_105 = arith.muli %add3A_95, %mul3A_104 : i32
            %add3A_106 = arith.addi %mul3A_2, %mul3A_105 : i32
            %run_scoped3A_107 = arith.constant 0 : i32
            %run_scoped3A_108 = arith.constant 1 : i32
            "tpu.region"() ({
              %run_scoped3A_109 = tpu.sem_alloc : memref<!tpu.dma_semaphore, #tpu.memory_space<semaphore_mem>>
              %dma_start3A_110 = arith.constant 0 : i32
              %dma_start3A_111 = tpu.memref_slice %arg10[%run_scoped3A_108, %dma_start3A_110] : memref<2x400xi32, #tpu.memory_space<vmem>> -> memref<1x400xi32, #tpu.memory_space<vmem>>
              %dma_start3A_112 = tpu.memref_squeeze %dma_start3A_111 : memref<1x400xi32, #tpu.memory_space<vmem>> -> memref<400xi32, #tpu.memory_space<vmem>>
              %dma_start3A_113 = tpu.memref_slice %arg2[%run_scoped3A_107, %add3A_106] : memref<2x800000xi32, #tpu.memory_space<hbm>> -> memref<1x400xi32, #tpu.memory_space<hbm>>
              %dma_start3A_114 = tpu.memref_squeeze %dma_start3A_113 : memref<1x400xi32, #tpu.memory_space<hbm>> -> memref<400xi32, #tpu.memory_space<hbm>>
              %dma_start3A_115 = arith.constant 0 : i32
              %dma_start3A_116 = tpu.memref_slice %arg10[%run_scoped3A_108, %dma_start3A_115] : memref<2x400xi32, #tpu.memory_space<vmem>> -> memref<1x400xi32, #tpu.memory_space<vmem>>
              %dma_start3A_117 = tpu.memref_squeeze %dma_start3A_116 : memref<1x400xi32, #tpu.memory_space<vmem>> -> memref<400xi32, #tpu.memory_space<vmem>>
              %dma_start3A_118 = tpu.memref_slice %arg2[%run_scoped3A_107, %add3A_106] : memref<2x800000xi32, #tpu.memory_space<hbm>> -> memref<1x400xi32, #tpu.memory_space<hbm>>
              %dma_start3A_119 = tpu.memref_squeeze %dma_start3A_118 : memref<1x400xi32, #tpu.memory_space<hbm>> -> memref<400xi32, #tpu.memory_space<hbm>>
              tpu.enqueue_dma source(%dma_start3A_119 : memref<400xi32, #tpu.memory_space<hbm>>) target(%dma_start3A_117 : memref<400xi32, #tpu.memory_space<vmem>>) target_semaphore(%run_scoped3A_109 : memref<!tpu.dma_semaphore, #tpu.memory_space<semaphore_mem>>)
              %dma_wait3A_120 = arith.constant 0 : i32
              %dma_wait3A_121 = tpu.memref_slice %arg10[%run_scoped3A_108, %dma_wait3A_120] : memref<2x400xi32, #tpu.memory_space<vmem>> -> memref<1x400xi32, #tpu.memory_space<vmem>>
              %dma_wait3A_122 = tpu.memref_squeeze %dma_wait3A_121 : memref<1x400xi32, #tpu.memory_space<vmem>> -> memref<400xi32, #tpu.memory_space<vmem>>
              %dma_wait3A_123 = tpu.memref_slice %arg2[%run_scoped3A_107, %add3A_106] : memref<2x800000xi32, #tpu.memory_space<hbm>> -> memref<1x400xi32, #tpu.memory_space<hbm>>
              %dma_wait3A_124 = tpu.memref_squeeze %dma_wait3A_123 : memref<1x400xi32, #tpu.memory_space<hbm>> -> memref<400xi32, #tpu.memory_space<hbm>>
              %dma_wait3A_125 = arith.constant 0 : i32
              %dma_wait3A_126 = tpu.memref_slice %arg10[%run_scoped3A_108, %dma_wait3A_125] : memref<2x400xi32, #tpu.memory_space<vmem>> -> memref<1x400xi32, #tpu.memory_space<vmem>>
              %dma_wait3A_127 = tpu.memref_squeeze %dma_wait3A_126 : memref<1x400xi32, #tpu.memory_space<vmem>> -> memref<400xi32, #tpu.memory_space<vmem>>
              %dma_wait3A_128 = tpu.memref_slice %arg2[%run_scoped3A_107, %add3A_106] : memref<2x800000xi32, #tpu.memory_space<hbm>> -> memref<1x400xi32, #tpu.memory_space<hbm>>
              %dma_wait3A_129 = tpu.memref_squeeze %dma_wait3A_128 : memref<1x400xi32, #tpu.memory_space<hbm>> -> memref<400xi32, #tpu.memory_space<hbm>>
              tpu.wait_dma2 semaphore(%run_scoped3A_109 : memref<!tpu.dma_semaphore, #tpu.memory_space<semaphore_mem>>) src(%dma_wait3A_129 : memref<400xi32, #tpu.memory_space<hbm>>) dst(%dma_wait3A_127 : memref<400xi32, #tpu.memory_space<vmem>>)
              tpu.yield
            }) : () -> ()
          } else {
          }
        } else {
        }
      }
      %scan3A_35 = arith.constant 62 : i32
      %dma_wait3A = arith.constant 0 : i32
      %dma_wait3A_36 = arith.constant 0 : i32
      %dma_wait3A_37 = tpu.memref_slice %arg9[%dma_wait3A, %dma_wait3A_36] : memref<2x400xi32, #tpu.memory_space<vmem>> -> memref<1x400xi32, #tpu.memory_space<vmem>>
      %dma_wait3A_38 = tpu.memref_squeeze %dma_wait3A_37 : memref<1x400xi32, #tpu.memory_space<vmem>> -> memref<400xi32, #tpu.memory_space<vmem>>
      %dma_wait3A_39 = arith.constant 0 : i32
      %dma_wait3A_40 = arith.constant 0 : i32
      %dma_wait3A_41 = tpu.memref_slice %arg5[%dma_wait3A_39, %dma_wait3A_40] : memref<50048x32xf32, #tpu.memory_space<hbm>> -> memref<50048x32xf32, #tpu.memory_space<hbm>>
      tpu.wait_indirect_dma semaphore(%arg15 : memref<!tpu.dma_semaphore, #tpu.memory_space<semaphore_mem>>) src(%dma_wait3A_41 : memref<50048x32xf32, #tpu.memory_space<hbm>>) dst(%arg11 : memref<400x32xf32, #tpu.memory_space<vmem>>)
      %run_scoped3A = arith.constant 1 : i32
      "tpu.region"() ({
        %run_scoped3A_43 = tpu.sem_alloc : memref<!tpu.dma_semaphore, #tpu.memory_space<semaphore_mem>>
        %dma_start3A_44 = arith.constant 0 : i32
        %dma_start3A_45 = tpu.memref_slice %arg9[%run_scoped3A, %dma_start3A_44] : memref<2x400xi32, #tpu.memory_space<vmem>> -> memref<1x400xi32, #tpu.memory_space<vmem>>
        %dma_start3A_46 = tpu.memref_squeeze %dma_start3A_45 : memref<1x400xi32, #tpu.memory_space<vmem>> -> memref<400xi32, #tpu.memory_space<vmem>>
        %dma_start3A_47 = arith.constant 0 : i32
        %dma_start3A_48 = arith.constant 0 : i32
        %dma_start3A_49 = tpu.memref_slice %arg13[%dma_start3A_47, %dma_start3A_48] : memref<50048x32xf32, #tpu.memory_space<vmem_shared>> -> memref<50048x32xf32, #tpu.memory_space<vmem_shared>>
        tpu.enqueue_indirect_dma source(%arg11 : memref<400x32xf32, #tpu.memory_space<vmem>>) target(%dma_start3A_49 : memref<50048x32xf32, #tpu.memory_space<vmem_shared>>) offsets(%dma_start3A_46 : memref<400xi32, #tpu.memory_space<vmem>>) semaphore(%run_scoped3A_43 : memref<!tpu.dma_semaphore, #tpu.memory_space<semaphore_mem>>) {add = true}
        %dma_wait3A_50 = arith.constant 0 : i32
        %dma_wait3A_51 = tpu.memref_slice %arg9[%run_scoped3A, %dma_wait3A_50] : memref<2x400xi32, #tpu.memory_space<vmem>> -> memref<1x400xi32, #tpu.memory_space<vmem>>
        %dma_wait3A_52 = tpu.memref_squeeze %dma_wait3A_51 : memref<1x400xi32, #tpu.memory_space<vmem>> -> memref<400xi32, #tpu.memory_space<vmem>>
        %dma_wait3A_53 = arith.constant 0 : i32
        %dma_wait3A_54 = arith.constant 0 : i32
        %dma_wait3A_55 = tpu.memref_slice %arg13[%dma_wait3A_53, %dma_wait3A_54] : memref<50048x32xf32, #tpu.memory_space<vmem_shared>> -> memref<50048x32xf32, #tpu.memory_space<vmem_shared>>
        tpu.wait_indirect_dma semaphore(%run_scoped3A_43 : memref<!tpu.dma_semaphore, #tpu.memory_space<semaphore_mem>>) src(%arg11 : memref<400x32xf32, #tpu.memory_space<vmem>>) dst(%dma_wait3A_55 : memref<50048x32xf32, #tpu.memory_space<vmem_shared>>)
        tpu.yield
      }) : () -> ()
      %barrier3A_42 = arith.constant 0 : index
      tpu.barrier barrier_id(%barrier3A_42)
      "tpu.region"() ({
        %run_scoped3A_43 = tpu.sem_alloc : memref<!tpu.dma_semaphore, #tpu.memory_space<semaphore_mem>>
        %dma_start3A_44 = arith.constant 0 : i32
        %dma_start3A_45 = tpu.memref_slice %arg8[%mul3A_0, %dma_start3A_44] : memref<50048x32xf32, #tpu.memory_space<hbm>> -> memref<3128x32xf32, #tpu.memory_space<hbm>>
        %dma_start3A_46 = arith.constant 0 : i32
        %dma_start3A_47 = tpu.memref_slice %arg13[%mul3A_0, %dma_start3A_46] : memref<50048x32xf32, #tpu.memory_space<vmem_shared>> -> memref<3128x32xf32, #tpu.memory_space<vmem_shared>>
        tpu.enqueue_dma source(%dma_start3A_47 : memref<3128x32xf32, #tpu.memory_space<vmem_shared>>) target(%dma_start3A_45 : memref<3128x32xf32, #tpu.memory_space<hbm>>) target_semaphore(%run_scoped3A_43 : memref<!tpu.dma_semaphore, #tpu.memory_space<semaphore_mem>>)
        %dma_wait3A_48 = arith.constant 0 : i32
        %dma_wait3A_49 = tpu.memref_slice %arg8[%mul3A_0, %dma_wait3A_48] : memref<50048x32xf32, #tpu.memory_space<hbm>> -> memref<3128x32xf32, #tpu.memory_space<hbm>>
        %dma_wait3A_50 = arith.constant 0 : i32
        %dma_wait3A_51 = tpu.memref_slice %arg13[%mul3A_0, %dma_wait3A_50] : memref<50048x32xf32, #tpu.memory_space<vmem_shared>> -> memref<3128x32xf32, #tpu.memory_space<vmem_shared>>
        tpu.wait_dma2 semaphore(%run_scoped3A_43 : memref<!tpu.dma_semaphore, #tpu.memory_space<semaphore_mem>>) src(%dma_wait3A_51 : memref<3128x32xf32, #tpu.memory_space<vmem_shared>>) dst(%dma_wait3A_49 : memref<3128x32xf32, #tpu.memory_space<hbm>>)
        tpu.yield
      }) : () -> ()
    } else {
    }
    return
  }
}

module attributes {stable_mosaic.version = 14 : i64} {
  func.func @body(%arg0: i32, %arg1: memref<3128x32xf32, #tpu.memory_space<vmem>>, %arg2: memref<3128x3xf32, #tpu.memory_space<vmem>>, %arg3: memref<3128x1xf32, #tpu.memory_space<vmem>>, %arg4: memref<3128x32xf32, #tpu.memory_space<vmem>>) attributes {dimension_semantics = [#tpu.dimension_semantics<arbitrary>], iteration_bounds = array<i64: 16>, scalar_prefetch = 0 : i64, scratch_operands = 0 : i64, tpu.core_type = #tpu.core_type<tc>, window_params = [{transform_indices = @transform_0, window_bounds = array<i64: 3128, 32>}, {transform_indices = @transform_1, window_bounds = array<i64: 3128, 3>}, {transform_indices = @transform_2, window_bounds = array<i64: 3128, 1>}, {transform_indices = @transform_3, window_bounds = array<i64: 3128, 32>}]} {
    %get3A = arith.constant 0 : index
    %get3A_0 = arith.constant 0 : index
    %get3A_1 = vector.load %arg1[%get3A, %get3A_0] : memref<3128x32xf32, #tpu.memory_space<vmem>>, vector<3128x1xf32>
    %gt3A = arith.constant 0.000000e+00 : f32
    %gt3A_2 = vector.broadcast %gt3A : f32 to vector<3128x1xf32>
    %gt3A_3 = arith.cmpf ogt, %get3A_1, %gt3A_2 : vector<3128x1xf32>
    %max3A = arith.constant 1.000000e+00 : f32
    %max3A_4 = vector.broadcast %max3A : f32 to vector<3128x1xf32>
    %max3A_5 = arith.maximumf %get3A_1, %max3A_4 : vector<3128x1xf32>
    %rsqrt3A = math.rsqrt %max3A_5 : vector<3128x1xf32>
    %jit3A = arith.constant 0.000000e+00 : f32
    %broadcast_in_dim3A = vector.broadcast %jit3A : f32 to vector<3128x1xf32>
    %select_n3A = arith.select %gt3A_3, %rsqrt3A, %broadcast_in_dim3A : vector<3128x1xi1>, vector<3128x1xf32>
    %swap3A = arith.constant 0 : index
    %swap3A_6 = arith.constant 0 : index
    %swap3A_7 = vector.load %arg3[%swap3A, %swap3A_6] : memref<3128x1xf32, #tpu.memory_space<vmem>>, vector<3128x1xf32>
    tpu.vector_store %arg3[%swap3A, %swap3A_6], %select_n3A {strides = array<i32>} : memref<3128x1xf32, #tpu.memory_space<vmem>>, vector<3128x1xf32>,
    %get3A_8 = arith.constant 0 : index
    %get3A_9 = arith.constant 0 : index
    %get3A_10 = vector.load %arg2[%get3A_8, %get3A_9] : memref<3128x3xf32, #tpu.memory_space<vmem>>, vector<3128x3xf32>
    %mul3A = vector.broadcast %select_n3A : vector<3128x1xf32> to vector<3128x3xf32>
    %mul3A_11 = arith.mulf %mul3A, %get3A_10 : vector<3128x3xf32>
    %broadcast_in_dim3A_12 = arith.constant 0.000000e+00 : f32
    %broadcast_in_dim3A_13 = vector.broadcast %broadcast_in_dim3A_12 : f32 to vector<3128x29xf32>
    %concatenate3A = tpu.concatenate %mul3A_11, %broadcast_in_dim3A_13 in 1 : vector<3128x3xf32>, vector<3128x29xf32> -> vector<3128x32xf32>
    %swap3A_14 = arith.constant 0 : index
    %swap3A_15 = arith.constant 0 : index
    %swap3A_16 = vector.load %arg4[%swap3A_14, %swap3A_15] : memref<3128x32xf32, #tpu.memory_space<vmem>>, vector<3128x32xf32>
    tpu.vector_store %arg4[%swap3A_14, %swap3A_15], %concatenate3A {strides = array<i32>} : memref<3128x32xf32, #tpu.memory_space<vmem>>, vector<3128x32xf32>,
    return
  }
  func.func @transform_0(%arg0: i32) -> (i32, i32) {
    %c0_i32 = arith.constant 0 : i32
    %c0_i32_0 = arith.constant 0 : i32
    return %arg0, %c0_i32 : i32, i32
  }
  func.func @transform_1(%arg0: i32) -> (i32, i32) {
    %c0_i32 = arith.constant 0 : i32
    %c0_i32_0 = arith.constant 0 : i32
    return %arg0, %c0_i32 : i32, i32
  }
  func.func @transform_2(%arg0: i32) -> (i32, i32) {
    %c0_i32 = arith.constant 0 : i32
    %c0_i32_0 = arith.constant 0 : i32
    return %arg0, %c0_i32 : i32, i32
  }
  func.func @transform_3(%arg0: i32) -> (i32, i32) {
    %c0_i32 = arith.constant 0 : i32
    %c0_i32_0 = arith.constant 0 : i32
    return %arg0, %c0_i32 : i32, i32
  }
}

module attributes {stable_mosaic.version = 14 : i64} {
  func.func @body(%arg0: i32, %arg1: memref<3128x32xf32, #tpu.memory_space<vmem>>, %arg2: memref<3128x1xf32, #tpu.memory_space<vmem>>, %arg3: memref<3128x32xf32, #tpu.memory_space<vmem>>) attributes {dimension_semantics = [#tpu.dimension_semantics<arbitrary>], iteration_bounds = array<i64: 16>, scalar_prefetch = 0 : i64, scratch_operands = 0 : i64, tpu.core_type = #tpu.core_type<tc>, window_params = [{transform_indices = @transform_0, window_bounds = array<i64: 3128, 32>}, {transform_indices = @transform_1, window_bounds = array<i64: 3128, 1>}, {transform_indices = @transform_2, window_bounds = array<i64: 3128, 32>}]} {
    %get3A = arith.constant 0 : index
    %get3A_0 = arith.constant 0 : index
    %get3A_1 = vector.load %arg2[%get3A, %get3A_0] : memref<3128x1xf32, #tpu.memory_space<vmem>>, vector<3128x1xf32>
    %get3A_2 = arith.constant 0 : index
    %get3A_3 = arith.constant 0 : index
    %get3A_4 = vector.load %arg2[%get3A_2, %get3A_3] : memref<3128x1xf32, #tpu.memory_space<vmem>>, vector<3128x1xf32>
    %mul3A = arith.mulf %get3A_1, %get3A_4 : vector<3128x1xf32>
    %neg3A = arith.constant 0.000000e+00 : f32
    %neg3A_5 = vector.broadcast %neg3A : f32 to vector<3128x1xf32>
    %neg3A_6 = arith.subf %neg3A_5, %mul3A : vector<3128x1xf32>
    %get3A_7 = arith.constant 0 : index
    %get3A_8 = arith.constant 0 : index
    %get3A_9 = vector.load %arg1[%get3A_7, %get3A_8] : memref<3128x32xf32, #tpu.memory_space<vmem>>, vector<3128x32xf32>
    %mul3A_10 = vector.broadcast %neg3A_6 : vector<3128x1xf32> to vector<3128x32xf32>
    %mul3A_11 = arith.mulf %mul3A_10, %get3A_9 : vector<3128x32xf32>
    %swap3A = arith.constant 0 : index
    %swap3A_12 = arith.constant 0 : index
    %swap3A_13 = vector.load %arg3[%swap3A, %swap3A_12] : memref<3128x32xf32, #tpu.memory_space<vmem>>, vector<3128x32xf32>
    tpu.vector_store %arg3[%swap3A, %swap3A_12], %mul3A_11 {strides = array<i32>} : memref<3128x32xf32, #tpu.memory_space<vmem>>, vector<3128x32xf32>,
    return
  }
  func.func @transform_0(%arg0: i32) -> (i32, i32) {
    %c0_i32 = arith.constant 0 : i32
    %c0_i32_0 = arith.constant 0 : i32
    return %arg0, %c0_i32 : i32, i32
  }
  func.func @transform_1(%arg0: i32) -> (i32, i32) {
    %c0_i32 = arith.constant 0 : i32
    %c0_i32_0 = arith.constant 0 : i32
    return %arg0, %c0_i32 : i32, i32
  }
  func.func @transform_2(%arg0: i32) -> (i32, i32) {
    %c0_i32 = arith.constant 0 : i32
    %c0_i32_0 = arith.constant 0 : i32
    return %arg0, %c0_i32 : i32, i32
  }
}

module attributes {stable_mosaic.version = 14 : i64} {
  func.func @body(%arg0: i32, %arg1: memref<3128x3xf32, #tpu.memory_space<vmem>>, %arg2: memref<3128x32xf32, #tpu.memory_space<vmem>>, %arg3: memref<3128x32xf32, #tpu.memory_space<vmem>>, %arg4: memref<3128x1xf32, #tpu.memory_space<vmem>>, %arg5: memref<3x3x64xf32, #tpu.memory_space<vmem>>, %arg6: memref<1x64xf32, #tpu.memory_space<vmem>>, %arg7: memref<3128x64xf32, #tpu.memory_space<vmem>>, %arg8: memref<8x64xf32, #tpu.memory_space<vmem>>) attributes {dimension_semantics = [#tpu.dimension_semantics<arbitrary>], iteration_bounds = array<i64: 16>, scalar_prefetch = 0 : i64, scratch_operands = 0 : i64, tpu.core_type = #tpu.core_type<tc>, window_params = [{transform_indices = @transform_0, window_bounds = array<i64: 3128, 3>}, {transform_indices = @transform_1, window_bounds = array<i64: 3128, 32>}, {transform_indices = @transform_2, window_bounds = array<i64: 3128, 32>}, {transform_indices = @transform_3, window_bounds = array<i64: 3128, 1>}, {pipeline_mode = #tpu.pipeline_mode<synchronous>, transform_indices = @transform_4, window_bounds = array<i64: 3, 3, 64>}, {pipeline_mode = #tpu.pipeline_mode<synchronous>, transform_indices = @transform_5, window_bounds = array<i64: 1, 64>}, {transform_indices = @transform_6, window_bounds = array<i64: 3128, 64>}, {pipeline_mode = #tpu.pipeline_mode<synchronous>, transform_indices = @transform_7, window_bounds = array<i64: 8, 64>}]} {
    %get3A = arith.constant 0 : index
    %get3A_0 = arith.constant 0 : index
    %get3A_1 = vector.load %arg1[%get3A, %get3A_0] : memref<3128x3xf32, #tpu.memory_space<vmem>>, vector<3128x3xf32>
    %get3A_2 = arith.constant 0 : index
    %get3A_3 = arith.constant 0 : index
    %get3A_4 = vector.load %arg4[%get3A_2, %get3A_3] : memref<3128x1xf32, #tpu.memory_space<vmem>>, vector<3128x1xf32>
    %neg3A = arith.constant 0.000000e+00 : f32
    %neg3A_5 = vector.broadcast %neg3A : f32 to vector<3128x1xf32>
    %neg3A_6 = arith.subf %neg3A_5, %get3A_4 : vector<3128x1xf32>
    %get3A_7 = arith.constant 0 : index
    %get3A_8 = arith.constant 0 : index
    %get3A_9 = vector.load %arg2[%get3A_7, %get3A_8] : memref<3128x32xf32, #tpu.memory_space<vmem>>, vector<3128x3xf32>
    %mul3A = vector.broadcast %neg3A_6 : vector<3128x1xf32> to vector<3128x3xf32>
    %mul3A_10 = arith.mulf %mul3A, %get3A_9 : vector<3128x3xf32>
    %mul3A_11 = arith.constant -2.000000e+00 : f32
    %mul3A_12 = vector.broadcast %mul3A_11 : f32 to vector<3128x1xf32>
    %mul3A_13 = arith.mulf %mul3A_12, %get3A_4 : vector<3128x1xf32>
    %get3A_14 = arith.constant 0 : index
    %get3A_15 = arith.constant 0 : index
    %get3A_16 = vector.load %arg3[%get3A_14, %get3A_15] : memref<3128x32xf32, #tpu.memory_space<vmem>>, vector<3128x3xf32>
    %mul3A_17 = vector.broadcast %mul3A_13 : vector<3128x1xf32> to vector<3128x3xf32>
    %mul3A_18 = arith.mulf %mul3A_17, %get3A_16 : vector<3128x3xf32>
    %sub3A = arith.subf %mul3A_18, %get3A_1 : vector<3128x3xf32>
    %get3A_19 = arith.constant 0 : index
    %get3A_20 = arith.constant 0 : index
    %get3A_21 = arith.constant 0 : index
    %get3A_22 = vector.load %arg5[%get3A_19, %get3A_20, %get3A_21] : memref<3x3x64xf32, #tpu.memory_space<vmem>>, vector<3x3x64xf32>
    %slice3A = vector.extract_strided_slice %get3A_22 {offsets = [0, 0, 0], sizes = [1, 3, 64], strides = [1, 1, 1]} : vector<3x3x64xf32> to vector<1x3x64xf32>
    %squeeze3A = vector.shape_cast %slice3A : vector<1x3x64xf32> to vector<3x64xf32>
    %dot_general3A = arith.constant dense<0.000000e+00> : vector<3128x64xf32>
    %dot_general3A_23 = tpu.matmul %get3A_1, %squeeze3A, %dot_general3A {dimension_numbers = #tpu.dot_dimension_numbers<[1], [0], [0], [1], [0, 0, 1, 1], [], []>, transpose_lhs_hint = false} : vector<3128x3xf32>, vector<3x64xf32>, vector<3128x64xf32> -> vector<3128x64xf32>
    %slice3A_24 = vector.extract_strided_slice %get3A_22 {offsets = [1, 0, 0], sizes = [1, 3, 64], strides = [1, 1, 1]} : vector<3x3x64xf32> to vector<1x3x64xf32>
    %squeeze3A_25 = vector.shape_cast %slice3A_24 : vector<1x3x64xf32> to vector<3x64xf32>
    %dot_general3A_26 = arith.constant dense<0.000000e+00> : vector<3128x64xf32>
    %dot_general3A_27 = tpu.matmul %mul3A_10, %squeeze3A_25, %dot_general3A_26 {dimension_numbers = #tpu.dot_dimension_numbers<[1], [0], [0], [1], [0, 0, 1, 1], [], []>, transpose_lhs_hint = false} : vector<3128x3xf32>, vector<3x64xf32>, vector<3128x64xf32> -> vector<3128x64xf32>
    %add3A = arith.addf %dot_general3A_23, %dot_general3A_27 : vector<3128x64xf32>
    %slice3A_28 = vector.extract_strided_slice %get3A_22 {offsets = [2, 0, 0], sizes = [1, 3, 64], strides = [1, 1, 1]} : vector<3x3x64xf32> to vector<1x3x64xf32>
    %squeeze3A_29 = vector.shape_cast %slice3A_28 : vector<1x3x64xf32> to vector<3x64xf32>
    %dot_general3A_30 = arith.constant dense<0.000000e+00> : vector<3128x64xf32>
    %dot_general3A_31 = tpu.matmul %sub3A, %squeeze3A_29, %dot_general3A_30 {dimension_numbers = #tpu.dot_dimension_numbers<[1], [0], [0], [1], [0, 0, 1, 1], [], []>, transpose_lhs_hint = false} : vector<3128x3xf32>, vector<3x64xf32>, vector<3128x64xf32> -> vector<3128x64xf32>
    %add3A_32 = arith.addf %add3A, %dot_general3A_31 : vector<3128x64xf32>
    %get3A_33 = arith.constant 0 : index
    %get3A_34 = arith.constant 0 : index
    %get3A_35 = vector.load %arg6[%get3A_33, %get3A_34] : memref<1x64xf32, #tpu.memory_space<vmem>>, vector<1x64xf32>
    %add3A_36 = vector.broadcast %get3A_35 : vector<1x64xf32> to vector<3128x64xf32>
    %add3A_37 = arith.addf %add3A_32, %add3A_36 : vector<3128x64xf32>
    %gt3A = arith.constant 0.000000e+00 : f32
    %gt3A_38 = vector.broadcast %gt3A : f32 to vector<3128x64xf32>
    %gt3A_39 = arith.cmpf ogt, %add3A_37, %gt3A_38 : vector<3128x64xf32>
    %mul3A_40 = arith.constant 0.00999999977 : f32
    %mul3A_41 = vector.broadcast %mul3A_40 : f32 to vector<3128x64xf32>
    %mul3A_42 = arith.mulf %mul3A_41, %add3A_37 : vector<3128x64xf32>
    %select_n3A = arith.select %gt3A_39, %add3A_37, %mul3A_42 : vector<3128x64xi1>, vector<3128x64xf32>
    %swap3A = arith.constant 0 : index
    %swap3A_43 = arith.constant 0 : index
    %swap3A_44 = vector.load %arg7[%swap3A, %swap3A_43] : memref<3128x64xf32, #tpu.memory_space<vmem>>, vector<3128x64xf32>
    tpu.vector_store %arg7[%swap3A, %swap3A_43], %select_n3A {strides = array<i32>} : memref<3128x64xf32, #tpu.memory_space<vmem>>, vector<3128x64xf32>,
    %mul3A_45 = arith.constant 3128 : i32
    %mul3A_46 = arith.muli %arg0, %mul3A_45 : i32
    %iota3A = tpu.iota {dimensions = array<i32: 0>} : vector<3128x1xi32>
    %add3A_47 = vector.broadcast %mul3A_46 : i32 to vector<3128x1xi32>
    %add3A_48 = arith.addi %add3A_47, %iota3A : vector<3128x1xi32>
    %lt3A = arith.constant 50000 : i32
    %lt3A_49 = vector.broadcast %lt3A : i32 to vector<3128x1xi32>
    %lt3A_50 = arith.cmpi slt, %add3A_48, %lt3A_49 : vector<3128x1xi32>
    %jit3A = arith.constant 0.000000e+00 : f32
    %broadcast_in_dim3A = vector.shape_cast %lt3A_50 : vector<3128x1xi1> to vector<3128x1xi1>
    %broadcast_in_dim3A_51 = vector.broadcast %broadcast_in_dim3A : vector<3128x1xi1> to vector<3128x64xi1>
    %broadcast_in_dim3A_52 = vector.broadcast %jit3A : f32 to vector<3128x64xf32>
    %select_n3A_53 = arith.select %broadcast_in_dim3A_51, %select_n3A, %broadcast_in_dim3A_52 : vector<3128x64xi1>, vector<3128x64xf32>
    %reduce_sum3A = arith.constant dense<0.000000e+00> : vector<64xf32>
    %reduce_sum3A_54 = vector.multi_reduction <add>, %select_n3A_53, %reduce_sum3A [0] : vector<3128x64xf32> to vector<64xf32>
    %broadcast_in_dim3A_55 = vector.shape_cast %reduce_sum3A_54 : vector<64xf32> to vector<1x64xf32>
    %mul3A_56 = arith.mulf %select_n3A_53, %select_n3A_53 : vector<3128x64xf32>
    %reduce_sum3A_57 = arith.constant dense<0.000000e+00> : vector<64xf32>
    %reduce_sum3A_58 = vector.multi_reduction <add>, %mul3A_56, %reduce_sum3A_57 [0] : vector<3128x64xf32> to vector<64xf32>
    %broadcast_in_dim3A_59 = vector.shape_cast %reduce_sum3A_58 : vector<64xf32> to vector<1x64xf32>
    %broadcast_in_dim3A_60 = arith.constant 0.000000e+00 : f32
    %broadcast_in_dim3A_61 = vector.broadcast %broadcast_in_dim3A_60 : f32 to vector<6x64xf32>
    %concatenate3A = tpu.concatenate %broadcast_in_dim3A_55, %broadcast_in_dim3A_59, %broadcast_in_dim3A_61 in 0 : vector<1x64xf32>, vector<1x64xf32>, vector<6x64xf32> -> vector<8x64xf32>
    %eq3A = arith.constant 0 : i32
    %eq3A_62 = arith.cmpi eq, %arg0, %eq3A : i32
    %convert_element_type3A = arith.extui %eq3A_62 : i1 to i32
    %cond3A = arith.constant 0 : i32
    %cond3A_63 = arith.cmpi ne, %convert_element_type3A, %cond3A : i32
    scf.if %cond3A_63 {
      %broadcast_in_dim3A_71 = arith.constant 0.000000e+00 : f32
      %broadcast_in_dim3A_72 = vector.broadcast %broadcast_in_dim3A_71 : f32 to vector<8x64xf32>
      %swap3A_73 = arith.constant 0 : index
      %swap3A_74 = arith.constant 0 : index
      %swap3A_75 = vector.load %arg8[%swap3A_73, %swap3A_74] : memref<8x64xf32, #tpu.memory_space<vmem>>, vector<8x64xf32>
      tpu.vector_store %arg8[%swap3A_73, %swap3A_74], %broadcast_in_dim3A_72 {strides = array<i32>} : memref<8x64xf32, #tpu.memory_space<vmem>>, vector<8x64xf32>,
    } else {
    }
    %get3A_64 = arith.constant 0 : index
    %get3A_65 = arith.constant 0 : index
    %get3A_66 = vector.load %arg8[%get3A_64, %get3A_65] : memref<8x64xf32, #tpu.memory_space<vmem>>, vector<8x64xf32>
    %add3A_67 = arith.addf %get3A_66, %concatenate3A : vector<8x64xf32>
    %swap3A_68 = arith.constant 0 : index
    %swap3A_69 = arith.constant 0 : index
    %swap3A_70 = vector.load %arg8[%swap3A_68, %swap3A_69] : memref<8x64xf32, #tpu.memory_space<vmem>>, vector<8x64xf32>
    tpu.vector_store %arg8[%swap3A_68, %swap3A_69], %add3A_67 {strides = array<i32>} : memref<8x64xf32, #tpu.memory_space<vmem>>, vector<8x64xf32>,
    return
  }
  func.func @transform_0(%arg0: i32) -> (i32, i32) {
    %c0_i32 = arith.constant 0 : i32
    %c0_i32_0 = arith.constant 0 : i32
    return %arg0, %c0_i32 : i32, i32
  }
  func.func @transform_1(%arg0: i32) -> (i32, i32) {
    %c0_i32 = arith.constant 0 : i32
    %c0_i32_0 = arith.constant 0 : i32
    return %arg0, %c0_i32 : i32, i32
  }
  func.func @transform_2(%arg0: i32) -> (i32, i32) {
    %c0_i32 = arith.constant 0 : i32
    %c0_i32_0 = arith.constant 0 : i32
    return %arg0, %c0_i32 : i32, i32
  }
  func.func @transform_3(%arg0: i32) -> (i32, i32) {
    %c0_i32 = arith.constant 0 : i32
    %c0_i32_0 = arith.constant 0 : i32
    return %arg0, %c0_i32 : i32, i32
  }
  func.func @transform_4(%arg0: i32) -> (i32, i32, i32) {
    %c0_i32 = arith.constant 0 : i32
    %c0_i32_0 = arith.constant 0 : i32
    %c0_i32_1 = arith.constant 0 : i32
    %c0_i32_2 = arith.constant 0 : i32
    return %c0_i32, %c0_i32_0, %c0_i32_1 : i32, i32, i32
  }
  func.func @transform_5(%arg0: i32) -> (i32, i32) {
    %c0_i32 = arith.constant 0 : i32
    %c0_i32_0 = arith.constant 0 : i32
    %c0_i32_1 = arith.constant 0 : i32
    return %c0_i32, %c0_i32_0 : i32, i32
  }
  func.func @transform_6(%arg0: i32) -> (i32, i32) {
    %c0_i32 = arith.constant 0 : i32
    %c0_i32_0 = arith.constant 0 : i32
    return %arg0, %c0_i32 : i32, i32
  }
  func.func @transform_7(%arg0: i32) -> (i32, i32) {
    %c0_i32 = arith.constant 0 : i32
    %c0_i32_0 = arith.constant 0 : i32
    %c0_i32_1 = arith.constant 0 : i32
    return %c0_i32, %c0_i32_0 : i32, i32
  }
}

module attributes {stable_mosaic.version = 14 : i64} {
  func.func @body(%arg0: i32, %arg1: memref<3128x64xf32, #tpu.memory_space<vmem>>, %arg2: memref<8x64xf32, #tpu.memory_space<vmem>>, %arg3: memref<1x64xf32, #tpu.memory_space<vmem>>, %arg4: memref<1x64xf32, #tpu.memory_space<vmem>>, %arg5: memref<3128x1xf32, #tpu.memory_space<vmem>>, %arg6: memref<3128x32xf32, #tpu.memory_space<vmem>>, %arg7: memref<3128x32xf32, #tpu.memory_space<vmem>>) attributes {dimension_semantics = [#tpu.dimension_semantics<arbitrary>], iteration_bounds = array<i64: 16>, scalar_prefetch = 0 : i64, scratch_operands = 0 : i64, tpu.core_type = #tpu.core_type<tc>, window_params = [{transform_indices = @transform_0, window_bounds = array<i64: 3128, 64>}, {pipeline_mode = #tpu.pipeline_mode<synchronous>, transform_indices = @transform_1, window_bounds = array<i64: 8, 64>}, {pipeline_mode = #tpu.pipeline_mode<synchronous>, transform_indices = @transform_2, window_bounds = array<i64: 1, 64>}, {pipeline_mode = #tpu.pipeline_mode<synchronous>, transform_indices = @transform_3, window_bounds = array<i64: 1, 64>}, {transform_indices = @transform_4, window_bounds = array<i64: 3128, 1>}, {transform_indices = @transform_5, window_bounds = array<i64: 3128, 32>}, {transform_indices = @transform_6, window_bounds = array<i64: 3128, 32>}]} {
    %get3A = arith.constant 0 : index
    %get3A_0 = arith.constant 0 : index
    %get3A_1 = vector.load %arg2[%get3A, %get3A_0] : memref<8x64xf32, #tpu.memory_space<vmem>>, vector<8x64xf32>
    %slice3A = vector.extract_strided_slice %get3A_1 {offsets = [0, 0], sizes = [1, 64], strides = [1, 1]} : vector<8x64xf32> to vector<1x64xf32>
    %div3A = arith.constant 5.000000e+04 : f32
    %div3A_2 = vector.broadcast %div3A : f32 to vector<1x64xf32>
    %div3A_3 = arith.divf %slice3A, %div3A_2 : vector<1x64xf32>
    %slice3A_4 = vector.extract_strided_slice %get3A_1 {offsets = [1, 0], sizes = [1, 64], strides = [1, 1]} : vector<8x64xf32> to vector<1x64xf32>
    %div3A_5 = arith.constant 5.000000e+04 : f32
    %div3A_6 = vector.broadcast %div3A_5 : f32 to vector<1x64xf32>
    %div3A_7 = arith.divf %slice3A_4, %div3A_6 : vector<1x64xf32>
    %mul3A = arith.mulf %div3A_3, %div3A_3 : vector<1x64xf32>
    %sub3A = arith.subf %div3A_7, %mul3A : vector<1x64xf32>
    %add3A = arith.constant 9.99999974E-6 : f32
    %add3A_8 = vector.broadcast %add3A : f32 to vector<1x64xf32>
    %add3A_9 = arith.addf %sub3A, %add3A_8 : vector<1x64xf32>
    %rsqrt3A = math.rsqrt %add3A_9 : vector<1x64xf32>
    %get3A_10 = arith.constant 0 : index
    %get3A_11 = arith.constant 0 : index
    %get3A_12 = vector.load %arg1[%get3A_10, %get3A_11] : memref<3128x64xf32, #tpu.memory_space<vmem>>, vector<3128x64xf32>
    %sub3A_13 = vector.broadcast %div3A_3 : vector<1x64xf32> to vector<3128x64xf32>
    %sub3A_14 = arith.subf %get3A_12, %sub3A_13 : vector<3128x64xf32>
    %mul3A_15 = vector.broadcast %rsqrt3A : vector<1x64xf32> to vector<3128x64xf32>
    %mul3A_16 = arith.mulf %sub3A_14, %mul3A_15 : vector<3128x64xf32>
    %get3A_17 = arith.constant 0 : index
    %get3A_18 = arith.constant 0 : index
    %get3A_19 = vector.load %arg3[%get3A_17, %get3A_18] : memref<1x64xf32, #tpu.memory_space<vmem>>, vector<1x64xf32>
    %mul3A_20 = vector.broadcast %get3A_19 : vector<1x64xf32> to vector<3128x64xf32>
    %mul3A_21 = arith.mulf %mul3A_16, %mul3A_20 : vector<3128x64xf32>
    %get3A_22 = arith.constant 0 : index
    %get3A_23 = arith.constant 0 : index
    %get3A_24 = vector.load %arg4[%get3A_22, %get3A_23] : memref<1x64xf32, #tpu.memory_space<vmem>>, vector<1x64xf32>
    %add3A_25 = vector.broadcast %get3A_24 : vector<1x64xf32> to vector<3128x64xf32>
    %add3A_26 = arith.addf %mul3A_21, %add3A_25 : vector<3128x64xf32>
    %get3A_27 = arith.constant 0 : index
    %get3A_28 = arith.constant 0 : index
    %get3A_29 = vector.load %arg5[%get3A_27, %get3A_28] : memref<3128x1xf32, #tpu.memory_space<vmem>>, vector<3128x1xf32>
    %mul3A_30 = vector.broadcast %get3A_29 : vector<3128x1xf32> to vector<3128x64xf32>
    %mul3A_31 = arith.mulf %mul3A_30, %add3A_26 : vector<3128x64xf32>
    %slice3A_32 = vector.extract_strided_slice %mul3A_31 {offsets = [0, 0], sizes = [3128, 32], strides = [1, 1]} : vector<3128x64xf32> to vector<3128x32xf32>
    %swap3A = arith.constant 0 : index
    %swap3A_33 = arith.constant 0 : index
    %swap3A_34 = vector.load %arg6[%swap3A, %swap3A_33] : memref<3128x32xf32, #tpu.memory_space<vmem>>, vector<3128x32xf32>
    tpu.vector_store %arg6[%swap3A, %swap3A_33], %slice3A_32 {strides = array<i32>} : memref<3128x32xf32, #tpu.memory_space<vmem>>, vector<3128x32xf32>,
    %slice3A_35 = vector.extract_strided_slice %mul3A_31 {offsets = [0, 32], sizes = [3128, 32], strides = [1, 1]} : vector<3128x64xf32> to vector<3128x32xf32>
    %swap3A_36 = arith.constant 0 : index
    %swap3A_37 = arith.constant 0 : index
    %swap3A_38 = vector.load %arg7[%swap3A_36, %swap3A_37] : memref<3128x32xf32, #tpu.memory_space<vmem>>, vector<3128x32xf32>
    tpu.vector_store %arg7[%swap3A_36, %swap3A_37], %slice3A_35 {strides = array<i32>} : memref<3128x32xf32, #tpu.memory_space<vmem>>, vector<3128x32xf32>,
    return
  }
  func.func @transform_0(%arg0: i32) -> (i32, i32) {
    %c0_i32 = arith.constant 0 : i32
    %c0_i32_0 = arith.constant 0 : i32
    return %arg0, %c0_i32 : i32, i32
  }
  func.func @transform_1(%arg0: i32) -> (i32, i32) {
    %c0_i32 = arith.constant 0 : i32
    %c0_i32_0 = arith.constant 0 : i32
    %c0_i32_1 = arith.constant 0 : i32
    return %c0_i32, %c0_i32_0 : i32, i32
  }
  func.func @transform_2(%arg0: i32) -> (i32, i32) {
    %c0_i32 = arith.constant 0 : i32
    %c0_i32_0 = arith.constant 0 : i32
    %c0_i32_1 = arith.constant 0 : i32
    return %c0_i32, %c0_i32_0 : i32, i32
  }
  func.func @transform_3(%arg0: i32) -> (i32, i32) {
    %c0_i32 = arith.constant 0 : i32
    %c0_i32_0 = arith.constant 0 : i32
    %c0_i32_1 = arith.constant 0 : i32
    return %c0_i32, %c0_i32_0 : i32, i32
  }
  func.func @transform_4(%arg0: i32) -> (i32, i32) {
    %c0_i32 = arith.constant 0 : i32
    %c0_i32_0 = arith.constant 0 : i32
    return %arg0, %c0_i32 : i32, i32
  }
  func.func @transform_5(%arg0: i32) -> (i32, i32) {
    %c0_i32 = arith.constant 0 : i32
    %c0_i32_0 = arith.constant 0 : i32
    return %arg0, %c0_i32 : i32, i32
  }
  func.func @transform_6(%arg0: i32) -> (i32, i32) {
    %c0_i32 = arith.constant 0 : i32
    %c0_i32_0 = arith.constant 0 : i32
    return %arg0, %c0_i32 : i32, i32
  }
}

module attributes {stable_mosaic.version = 14 : i64} {
  func.func @body(%arg0: i32, %arg1: memref<3128x32xf32, #tpu.memory_space<vmem>>, %arg2: memref<3128x32xf32, #tpu.memory_space<vmem>>, %arg3: memref<3128x1xf32, #tpu.memory_space<vmem>>, %arg4: memref<3128x32xf32, #tpu.memory_space<vmem>>, %arg5: memref<3128x32xf32, #tpu.memory_space<vmem>>) attributes {dimension_semantics = [#tpu.dimension_semantics<arbitrary>], iteration_bounds = array<i64: 16>, scalar_prefetch = 0 : i64, scratch_operands = 0 : i64, tpu.core_type = #tpu.core_type<tc>, window_params = [{transform_indices = @transform_0, window_bounds = array<i64: 3128, 32>}, {transform_indices = @transform_1, window_bounds = array<i64: 3128, 32>}, {transform_indices = @transform_2, window_bounds = array<i64: 3128, 1>}, {transform_indices = @transform_3, window_bounds = array<i64: 3128, 32>}, {transform_indices = @transform_4, window_bounds = array<i64: 3128, 32>}]} {
    %get3A = arith.constant 0 : index
    %get3A_0 = arith.constant 0 : index
    %get3A_1 = vector.load %arg3[%get3A, %get3A_0] : memref<3128x1xf32, #tpu.memory_space<vmem>>, vector<3128x1xf32>
    %get3A_2 = arith.constant 0 : index
    %get3A_3 = arith.constant 0 : index
    %get3A_4 = vector.load %arg3[%get3A_2, %get3A_3] : memref<3128x1xf32, #tpu.memory_space<vmem>>, vector<3128x1xf32>
    %mul3A = arith.mulf %get3A_1, %get3A_4 : vector<3128x1xf32>
    %neg3A = arith.constant 0.000000e+00 : f32
    %neg3A_5 = vector.broadcast %neg3A : f32 to vector<3128x1xf32>
    %neg3A_6 = arith.subf %neg3A_5, %mul3A : vector<3128x1xf32>
    %get3A_7 = arith.constant 0 : index
    %get3A_8 = arith.constant 0 : index
    %get3A_9 = vector.load %arg1[%get3A_7, %get3A_8] : memref<3128x32xf32, #tpu.memory_space<vmem>>, vector<3128x32xf32>
    %mul3A_10 = vector.broadcast %neg3A_6 : vector<3128x1xf32> to vector<3128x32xf32>
    %mul3A_11 = arith.mulf %mul3A_10, %get3A_9 : vector<3128x32xf32>
    %swap3A = arith.constant 0 : index
    %swap3A_12 = arith.constant 0 : index
    %swap3A_13 = vector.load %arg4[%swap3A, %swap3A_12] : memref<3128x32xf32, #tpu.memory_space<vmem>>, vector<3128x32xf32>
    tpu.vector_store %arg4[%swap3A, %swap3A_12], %mul3A_11 {strides = array<i32>} : memref<3128x32xf32, #tpu.memory_space<vmem>>, vector<3128x32xf32>,
    %get3A_14 = arith.constant 0 : index
    %get3A_15 = arith.constant 0 : index
    %get3A_16 = vector.load %arg2[%get3A_14, %get3A_15] : memref<3128x32xf32, #tpu.memory_space<vmem>>, vector<3128x32xf32>
    %mul3A_17 = vector.broadcast %neg3A_6 : vector<3128x1xf32> to vector<3128x32xf32>
    %mul3A_18 = arith.mulf %mul3A_17, %get3A_16 : vector<3128x32xf32>
    %swap3A_19 = arith.constant 0 : index
    %swap3A_20 = arith.constant 0 : index
    %swap3A_21 = vector.load %arg5[%swap3A_19, %swap3A_20] : memref<3128x32xf32, #tpu.memory_space<vmem>>, vector<3128x32xf32>
    tpu.vector_store %arg5[%swap3A_19, %swap3A_20], %mul3A_18 {strides = array<i32>} : memref<3128x32xf32, #tpu.memory_space<vmem>>, vector<3128x32xf32>,
    return
  }
  func.func @transform_0(%arg0: i32) -> (i32, i32) {
    %c0_i32 = arith.constant 0 : i32
    %c0_i32_0 = arith.constant 0 : i32
    return %arg0, %c0_i32 : i32, i32
  }
  func.func @transform_1(%arg0: i32) -> (i32, i32) {
    %c0_i32 = arith.constant 0 : i32
    %c0_i32_0 = arith.constant 0 : i32
    return %arg0, %c0_i32 : i32, i32
  }
  func.func @transform_2(%arg0: i32) -> (i32, i32) {
    %c0_i32 = arith.constant 0 : i32
    %c0_i32_0 = arith.constant 0 : i32
    return %arg0, %c0_i32 : i32, i32
  }
  func.func @transform_3(%arg0: i32) -> (i32, i32) {
    %c0_i32 = arith.constant 0 : i32
    %c0_i32_0 = arith.constant 0 : i32
    return %arg0, %c0_i32 : i32, i32
  }
  func.func @transform_4(%arg0: i32) -> (i32, i32) {
    %c0_i32 = arith.constant 0 : i32
    %c0_i32_0 = arith.constant 0 : i32
    return %arg0, %c0_i32 : i32, i32
  }
}

module attributes {stable_mosaic.version = 14 : i64} {
  func.func @body(%arg0: i32, %arg1: memref<3128x64xf32, #tpu.memory_space<vmem>>, %arg2: memref<8x64xf32, #tpu.memory_space<vmem>>, %arg3: memref<1x64xf32, #tpu.memory_space<vmem>>, %arg4: memref<1x64xf32, #tpu.memory_space<vmem>>, %arg5: memref<3128x32xf32, #tpu.memory_space<vmem>>, %arg6: memref<3128x32xf32, #tpu.memory_space<vmem>>, %arg7: memref<3128x32xf32, #tpu.memory_space<vmem>>, %arg8: memref<3128x32xf32, #tpu.memory_space<vmem>>, %arg9: memref<3128x1xf32, #tpu.memory_space<vmem>>, %arg10: memref<3x64x64xf32, #tpu.memory_space<vmem>>, %arg11: memref<1x64xf32, #tpu.memory_space<vmem>>, %arg12: memref<3128x64xf32, #tpu.memory_space<vmem>>, %arg13: memref<8x64xf32, #tpu.memory_space<vmem>>) attributes {dimension_semantics = [#tpu.dimension_semantics<arbitrary>], iteration_bounds = array<i64: 16>, scalar_prefetch = 0 : i64, scratch_operands = 0 : i64, tpu.core_type = #tpu.core_type<tc>, window_params = [{transform_indices = @transform_0, window_bounds = array<i64: 3128, 64>}, {pipeline_mode = #tpu.pipeline_mode<synchronous>, transform_indices = @transform_1, window_bounds = array<i64: 8, 64>}, {pipeline_mode = #tpu.pipeline_mode<synchronous>, transform_indices = @transform_2, window_bounds = array<i64: 1, 64>}, {pipeline_mode = #tpu.pipeline_mode<synchronous>, transform_indices = @transform_3, window_bounds = array<i64: 1, 64>}, {transform_indices = @transform_4, window_bounds = array<i64: 3128, 32>}, {transform_indices = @transform_5, window_bounds = array<i64: 3128, 32>}, {transform_indices = @transform_6, window_bounds = array<i64: 3128, 32>}, {transform_indices = @transform_7, window_bounds = array<i64: 3128, 32>}, {transform_indices = @transform_8, window_bounds = array<i64: 3128, 1>}, {pipeline_mode = #tpu.pipeline_mode<synchronous>, transform_indices = @transform_9, window_bounds = array<i64: 3, 64, 64>}, {pipeline_mode = #tpu.pipeline_mode<synchronous>, transform_indices = @transform_10, window_bounds = array<i64: 1, 64>}, {transform_indices = @transform_11, window_bounds = array<i64: 3128, 64>}, {pipeline_mode = #tpu.pipeline_mode<synchronous>, transform_indices = @transform_12, window_bounds = array<i64: 8, 64>}]} {
    %get3A = arith.constant 0 : index
    %get3A_0 = arith.constant 0 : index
    %get3A_1 = vector.load %arg2[%get3A, %get3A_0] : memref<8x64xf32, #tpu.memory_space<vmem>>, vector<8x64xf32>
    %slice3A = vector.extract_strided_slice %get3A_1 {offsets = [0, 0], sizes = [1, 64], strides = [1, 1]} : vector<8x64xf32> to vector<1x64xf32>
    %div3A = arith.constant 5.000000e+04 : f32
    %div3A_2 = vector.broadcast %div3A : f32 to vector<1x64xf32>
    %div3A_3 = arith.divf %slice3A, %div3A_2 : vector<1x64xf32>
    %slice3A_4 = vector.extract_strided_slice %get3A_1 {offsets = [1, 0], sizes = [1, 64], strides = [1, 1]} : vector<8x64xf32> to vector<1x64xf32>
    %div3A_5 = arith.constant 5.000000e+04 : f32
    %div3A_6 = vector.broadcast %div3A_5 : f32 to vector<1x64xf32>
    %div3A_7 = arith.divf %slice3A_4, %div3A_6 : vector<1x64xf32>
    %mul3A = arith.mulf %div3A_3, %div3A_3 : vector<1x64xf32>
    %sub3A = arith.subf %div3A_7, %mul3A : vector<1x64xf32>
    %add3A = arith.constant 9.99999974E-6 : f32
    %add3A_8 = vector.broadcast %add3A : f32 to vector<1x64xf32>
    %add3A_9 = arith.addf %sub3A, %add3A_8 : vector<1x64xf32>
    %rsqrt3A = math.rsqrt %add3A_9 : vector<1x64xf32>
    %get3A_10 = arith.constant 0 : index
    %get3A_11 = arith.constant 0 : index
    %get3A_12 = vector.load %arg1[%get3A_10, %get3A_11] : memref<3128x64xf32, #tpu.memory_space<vmem>>, vector<3128x64xf32>
    %sub3A_13 = vector.broadcast %div3A_3 : vector<1x64xf32> to vector<3128x64xf32>
    %sub3A_14 = arith.subf %get3A_12, %sub3A_13 : vector<3128x64xf32>
    %mul3A_15 = vector.broadcast %rsqrt3A : vector<1x64xf32> to vector<3128x64xf32>
    %mul3A_16 = arith.mulf %sub3A_14, %mul3A_15 : vector<3128x64xf32>
    %get3A_17 = arith.constant 0 : index
    %get3A_18 = arith.constant 0 : index
    %get3A_19 = vector.load %arg3[%get3A_17, %get3A_18] : memref<1x64xf32, #tpu.memory_space<vmem>>, vector<1x64xf32>
    %mul3A_20 = vector.broadcast %get3A_19 : vector<1x64xf32> to vector<3128x64xf32>
    %mul3A_21 = arith.mulf %mul3A_16, %mul3A_20 : vector<3128x64xf32>
    %get3A_22 = arith.constant 0 : index
    %get3A_23 = arith.constant 0 : index
    %get3A_24 = vector.load %arg4[%get3A_22, %get3A_23] : memref<1x64xf32, #tpu.memory_space<vmem>>, vector<1x64xf32>
    %add3A_25 = vector.broadcast %get3A_24 : vector<1x64xf32> to vector<3128x64xf32>
    %add3A_26 = arith.addf %mul3A_21, %add3A_25 : vector<3128x64xf32>
    %get3A_27 = arith.constant 0 : index
    %get3A_28 = arith.constant 0 : index
    %get3A_29 = vector.load %arg9[%get3A_27, %get3A_28] : memref<3128x1xf32, #tpu.memory_space<vmem>>, vector<3128x1xf32>
    %get3A_30 = arith.constant 0 : index
    %get3A_31 = arith.constant 0 : index
    %get3A_32 = vector.load %arg5[%get3A_30, %get3A_31] : memref<3128x32xf32, #tpu.memory_space<vmem>>, vector<3128x32xf32>
    %get3A_33 = arith.constant 0 : index
    %get3A_34 = arith.constant 0 : index
    %get3A_35 = vector.load %arg6[%get3A_33, %get3A_34] : memref<3128x32xf32, #tpu.memory_space<vmem>>, vector<3128x32xf32>
    %concatenate3A = tpu.concatenate %get3A_32, %get3A_35 in 1 : vector<3128x32xf32>, vector<3128x32xf32> -> vector<3128x64xf32>
    %get3A_36 = arith.constant 0 : index
    %get3A_37 = arith.constant 0 : index
    %get3A_38 = vector.load %arg7[%get3A_36, %get3A_37] : memref<3128x32xf32, #tpu.memory_space<vmem>>, vector<3128x32xf32>
    %get3A_39 = arith.constant 0 : index
    %get3A_40 = arith.constant 0 : index
    %get3A_41 = vector.load %arg8[%get3A_39, %get3A_40] : memref<3128x32xf32, #tpu.memory_space<vmem>>, vector<3128x32xf32>
    %concatenate3A_42 = tpu.concatenate %get3A_38, %get3A_41 in 1 : vector<3128x32xf32>, vector<3128x32xf32> -> vector<3128x64xf32>
    %neg3A = arith.constant 0.000000e+00 : f32
    %neg3A_43 = vector.broadcast %neg3A : f32 to vector<3128x1xf32>
    %neg3A_44 = arith.subf %neg3A_43, %get3A_29 : vector<3128x1xf32>
    %mul3A_45 = vector.broadcast %neg3A_44 : vector<3128x1xf32> to vector<3128x64xf32>
    %mul3A_46 = arith.mulf %mul3A_45, %concatenate3A : vector<3128x64xf32>
    %mul3A_47 = arith.constant -2.000000e+00 : f32
    %mul3A_48 = vector.broadcast %mul3A_47 : f32 to vector<3128x1xf32>
    %mul3A_49 = arith.mulf %mul3A_48, %get3A_29 : vector<3128x1xf32>
    %mul3A_50 = vector.broadcast %mul3A_49 : vector<3128x1xf32> to vector<3128x64xf32>
    %mul3A_51 = arith.mulf %mul3A_50, %concatenate3A_42 : vector<3128x64xf32>
    %sub3A_52 = arith.subf %mul3A_51, %add3A_26 : vector<3128x64xf32>
    %get3A_53 = arith.constant 0 : index
    %get3A_54 = arith.constant 0 : index
    %get3A_55 = arith.constant 0 : index
    %get3A_56 = vector.load %arg10[%get3A_53, %get3A_54, %get3A_55] : memref<3x64x64xf32, #tpu.memory_space<vmem>>, vector<3x64x64xf32>
    %slice3A_57 = vector.extract_strided_slice %get3A_56 {offsets = [0, 0, 0], sizes = [1, 64, 64], strides = [1, 1, 1]} : vector<3x64x64xf32> to vector<1x64x64xf32>
    %squeeze3A = vector.shape_cast %slice3A_57 : vector<1x64x64xf32> to vector<64x64xf32>
    %dot_general3A = arith.constant dense<0.000000e+00> : vector<3128x64xf32>
    %dot_general3A_58 = tpu.matmul %add3A_26, %squeeze3A, %dot_general3A {dimension_numbers = #tpu.dot_dimension_numbers<[1], [0], [0], [1], [0, 0, 1, 1], [], []>, transpose_lhs_hint = false} : vector<3128x64xf32>, vector<64x64xf32>, vector<3128x64xf32> -> vector<3128x64xf32>
    %slice3A_59 = vector.extract_strided_slice %get3A_56 {offsets = [1, 0, 0], sizes = [1, 64, 64], strides = [1, 1, 1]} : vector<3x64x64xf32> to vector<1x64x64xf32>
    %squeeze3A_60 = vector.shape_cast %slice3A_59 : vector<1x64x64xf32> to vector<64x64xf32>
    %dot_general3A_61 = arith.constant dense<0.000000e+00> : vector<3128x64xf32>
    %dot_general3A_62 = tpu.matmul %mul3A_46, %squeeze3A_60, %dot_general3A_61 {dimension_numbers = #tpu.dot_dimension_numbers<[1], [0], [0], [1], [0, 0, 1, 1], [], []>, transpose_lhs_hint = false} : vector<3128x64xf32>, vector<64x64xf32>, vector<3128x64xf32> -> vector<3128x64xf32>
    %add3A_63 = arith.addf %dot_general3A_58, %dot_general3A_62 : vector<3128x64xf32>
    %slice3A_64 = vector.extract_strided_slice %get3A_56 {offsets = [2, 0, 0], sizes = [1, 64, 64], strides = [1, 1, 1]} : vector<3x64x64xf32> to vector<1x64x64xf32>
    %squeeze3A_65 = vector.shape_cast %slice3A_64 : vector<1x64x64xf32> to vector<64x64xf32>
    %dot_general3A_66 = arith.constant dense<0.000000e+00> : vector<3128x64xf32>
    %dot_general3A_67 = tpu.matmul %sub3A_52, %squeeze3A_65, %dot_general3A_66 {dimension_numbers = #tpu.dot_dimension_numbers<[1], [0], [0], [1], [0, 0, 1, 1], [], []>, transpose_lhs_hint = false} : vector<3128x64xf32>, vector<64x64xf32>, vector<3128x64xf32> -> vector<3128x64xf32>
    %add3A_68 = arith.addf %add3A_63, %dot_general3A_67 : vector<3128x64xf32>
    %get3A_69 = arith.constant 0 : index
    %get3A_70 = arith.constant 0 : index
    %get3A_71 = vector.load %arg11[%get3A_69, %get3A_70] : memref<1x64xf32, #tpu.memory_space<vmem>>, vector<1x64xf32>
    %add3A_72 = vector.broadcast %get3A_71 : vector<1x64xf32> to vector<3128x64xf32>
    %add3A_73 = arith.addf %add3A_68, %add3A_72 : vector<3128x64xf32>
    %gt3A = arith.constant 0.000000e+00 : f32
    %gt3A_74 = vector.broadcast %gt3A : f32 to vector<3128x64xf32>
    %gt3A_75 = arith.cmpf ogt, %add3A_73, %gt3A_74 : vector<3128x64xf32>
    %mul3A_76 = arith.constant 0.00999999977 : f32
    %mul3A_77 = vector.broadcast %mul3A_76 : f32 to vector<3128x64xf32>
    %mul3A_78 = arith.mulf %mul3A_77, %add3A_73 : vector<3128x64xf32>
    %select_n3A = arith.select %gt3A_75, %add3A_73, %mul3A_78 : vector<3128x64xi1>, vector<3128x64xf32>
    %swap3A = arith.constant 0 : index
    %swap3A_79 = arith.constant 0 : index
    %swap3A_80 = vector.load %arg12[%swap3A, %swap3A_79] : memref<3128x64xf32, #tpu.memory_space<vmem>>, vector<3128x64xf32>
    tpu.vector_store %arg12[%swap3A, %swap3A_79], %select_n3A {strides = array<i32>} : memref<3128x64xf32, #tpu.memory_space<vmem>>, vector<3128x64xf32>,
    %mul3A_81 = arith.constant 3128 : i32
    %mul3A_82 = arith.muli %arg0, %mul3A_81 : i32
    %iota3A = tpu.iota {dimensions = array<i32: 0>} : vector<3128x1xi32>
    %add3A_83 = vector.broadcast %mul3A_82 : i32 to vector<3128x1xi32>
    %add3A_84 = arith.addi %add3A_83, %iota3A : vector<3128x1xi32>
    %lt3A = arith.constant 50000 : i32
    %lt3A_85 = vector.broadcast %lt3A : i32 to vector<3128x1xi32>
    %lt3A_86 = arith.cmpi slt, %add3A_84, %lt3A_85 : vector<3128x1xi32>
    %jit3A = arith.constant 0.000000e+00 : f32
    %broadcast_in_dim3A = vector.shape_cast %lt3A_86 : vector<3128x1xi1> to vector<3128x1xi1>
    %broadcast_in_dim3A_87 = vector.broadcast %broadcast_in_dim3A : vector<3128x1xi1> to vector<3128x64xi1>
    %broadcast_in_dim3A_88 = vector.broadcast %jit3A : f32 to vector<3128x64xf32>
    %select_n3A_89 = arith.select %broadcast_in_dim3A_87, %select_n3A, %broadcast_in_dim3A_88 : vector<3128x64xi1>, vector<3128x64xf32>
    %reduce_sum3A = arith.constant dense<0.000000e+00> : vector<64xf32>
    %reduce_sum3A_90 = vector.multi_reduction <add>, %select_n3A_89, %reduce_sum3A [0] : vector<3128x64xf32> to vector<64xf32>
    %broadcast_in_dim3A_91 = vector.shape_cast %reduce_sum3A_90 : vector<64xf32> to vector<1x64xf32>
    %mul3A_92 = arith.mulf %select_n3A_89, %select_n3A_89 : vector<3128x64xf32>
    %reduce_sum3A_93 = arith.constant dense<0.000000e+00> : vector<64xf32>
    %reduce_sum3A_94 = vector.multi_reduction <add>, %mul3A_92, %reduce_sum3A_93 [0] : vector<3128x64xf32> to vector<64xf32>
    %broadcast_in_dim3A_95 = vector.shape_cast %reduce_sum3A_94 : vector<64xf32> to vector<1x64xf32>
    %broadcast_in_dim3A_96 = arith.constant 0.000000e+00 : f32
    %broadcast_in_dim3A_97 = vector.broadcast %broadcast_in_dim3A_96 : f32 to vector<6x64xf32>
    %concatenate3A_98 = tpu.concatenate %broadcast_in_dim3A_91, %broadcast_in_dim3A_95, %broadcast_in_dim3A_97 in 0 : vector<1x64xf32>, vector<1x64xf32>, vector<6x64xf32> -> vector<8x64xf32>
    %eq3A = arith.constant 0 : i32
    %eq3A_99 = arith.cmpi eq, %arg0, %eq3A : i32
    %convert_element_type3A = arith.extui %eq3A_99 : i1 to i32
    %cond3A = arith.constant 0 : i32
    %cond3A_100 = arith.cmpi ne, %convert_element_type3A, %cond3A : i32
    scf.if %cond3A_100 {
      %broadcast_in_dim3A_108 = arith.constant 0.000000e+00 : f32
      %broadcast_in_dim3A_109 = vector.broadcast %broadcast_in_dim3A_108 : f32 to vector<8x64xf32>
      %swap3A_110 = arith.constant 0 : index
      %swap3A_111 = arith.constant 0 : index
      %swap3A_112 = vector.load %arg13[%swap3A_110, %swap3A_111] : memref<8x64xf32, #tpu.memory_space<vmem>>, vector<8x64xf32>
      tpu.vector_store %arg13[%swap3A_110, %swap3A_111], %broadcast_in_dim3A_109 {strides = array<i32>} : memref<8x64xf32, #tpu.memory_space<vmem>>, vector<8x64xf32>,
    } else {
    }
    %get3A_101 = arith.constant 0 : index
    %get3A_102 = arith.constant 0 : index
    %get3A_103 = vector.load %arg13[%get3A_101, %get3A_102] : memref<8x64xf32, #tpu.memory_space<vmem>>, vector<8x64xf32>
    %add3A_104 = arith.addf %get3A_103, %concatenate3A_98 : vector<8x64xf32>
    %swap3A_105 = arith.constant 0 : index
    %swap3A_106 = arith.constant 0 : index
    %swap3A_107 = vector.load %arg13[%swap3A_105, %swap3A_106] : memref<8x64xf32, #tpu.memory_space<vmem>>, vector<8x64xf32>
    tpu.vector_store %arg13[%swap3A_105, %swap3A_106], %add3A_104 {strides = array<i32>} : memref<8x64xf32, #tpu.memory_space<vmem>>, vector<8x64xf32>,
    return
  }
  func.func @transform_0(%arg0: i32) -> (i32, i32) {
    %c0_i32 = arith.constant 0 : i32
    %c0_i32_0 = arith.constant 0 : i32
    return %arg0, %c0_i32 : i32, i32
  }
  func.func @transform_1(%arg0: i32) -> (i32, i32) {
    %c0_i32 = arith.constant 0 : i32
    %c0_i32_0 = arith.constant 0 : i32
    %c0_i32_1 = arith.constant 0 : i32
    return %c0_i32, %c0_i32_0 : i32, i32
  }
  func.func @transform_2(%arg0: i32) -> (i32, i32) {
    %c0_i32 = arith.constant 0 : i32
    %c0_i32_0 = arith.constant 0 : i32
    %c0_i32_1 = arith.constant 0 : i32
    return %c0_i32, %c0_i32_0 : i32, i32
  }
  func.func @transform_3(%arg0: i32) -> (i32, i32) {
    %c0_i32 = arith.constant 0 : i32
    %c0_i32_0 = arith.constant 0 : i32
    %c0_i32_1 = arith.constant 0 : i32
    return %c0_i32, %c0_i32_0 : i32, i32
  }
  func.func @transform_4(%arg0: i32) -> (i32, i32) {
    %c0_i32 = arith.constant 0 : i32
    %c0_i32_0 = arith.constant 0 : i32
    return %arg0, %c0_i32 : i32, i32
  }
  func.func @transform_5(%arg0: i32) -> (i32, i32) {
    %c0_i32 = arith.constant 0 : i32
    %c0_i32_0 = arith.constant 0 : i32
    return %arg0, %c0_i32 : i32, i32
  }
  func.func @transform_6(%arg0: i32) -> (i32, i32) {
    %c0_i32 = arith.constant 0 : i32
    %c0_i32_0 = arith.constant 0 : i32
    return %arg0, %c0_i32 : i32, i32
  }
  func.func @transform_7(%arg0: i32) -> (i32, i32) {
    %c0_i32 = arith.constant 0 : i32
    %c0_i32_0 = arith.constant 0 : i32
    return %arg0, %c0_i32 : i32, i32
  }
  func.func @transform_8(%arg0: i32) -> (i32, i32) {
    %c0_i32 = arith.constant 0 : i32
    %c0_i32_0 = arith.constant 0 : i32
    return %arg0, %c0_i32 : i32, i32
  }
  func.func @transform_9(%arg0: i32) -> (i32, i32, i32) {
    %c0_i32 = arith.constant 0 : i32
    %c0_i32_0 = arith.constant 0 : i32
    %c0_i32_1 = arith.constant 0 : i32
    %c0_i32_2 = arith.constant 0 : i32
    return %c0_i32, %c0_i32_0, %c0_i32_1 : i32, i32, i32
  }
  func.func @transform_10(%arg0: i32) -> (i32, i32) {
    %c0_i32 = arith.constant 0 : i32
    %c0_i32_0 = arith.constant 0 : i32
    %c0_i32_1 = arith.constant 0 : i32
    return %c0_i32, %c0_i32_0 : i32, i32
  }
  func.func @transform_11(%arg0: i32) -> (i32, i32) {
    %c0_i32 = arith.constant 0 : i32
    %c0_i32_0 = arith.constant 0 : i32
    return %arg0, %c0_i32 : i32, i32
  }
  func.func @transform_12(%arg0: i32) -> (i32, i32) {
    %c0_i32 = arith.constant 0 : i32
    %c0_i32_0 = arith.constant 0 : i32
    %c0_i32_1 = arith.constant 0 : i32
    return %c0_i32, %c0_i32_0 : i32, i32
  }
}

module attributes {stable_mosaic.version = 14 : i64} {
  func.func @body(%arg0: i32, %arg1: memref<3128x64xf32, #tpu.memory_space<vmem>>, %arg2: memref<8x64xf32, #tpu.memory_space<vmem>>, %arg3: memref<1x64xf32, #tpu.memory_space<vmem>>, %arg4: memref<1x64xf32, #tpu.memory_space<vmem>>, %arg5: memref<3128x1xf32, #tpu.memory_space<vmem>>, %arg6: memref<3128x32xf32, #tpu.memory_space<vmem>>, %arg7: memref<3128x32xf32, #tpu.memory_space<vmem>>) attributes {dimension_semantics = [#tpu.dimension_semantics<arbitrary>], iteration_bounds = array<i64: 16>, scalar_prefetch = 0 : i64, scratch_operands = 0 : i64, tpu.core_type = #tpu.core_type<tc>, window_params = [{transform_indices = @transform_0, window_bounds = array<i64: 3128, 64>}, {pipeline_mode = #tpu.pipeline_mode<synchronous>, transform_indices = @transform_1, window_bounds = array<i64: 8, 64>}, {pipeline_mode = #tpu.pipeline_mode<synchronous>, transform_indices = @transform_2, window_bounds = array<i64: 1, 64>}, {pipeline_mode = #tpu.pipeline_mode<synchronous>, transform_indices = @transform_3, window_bounds = array<i64: 1, 64>}, {transform_indices = @transform_4, window_bounds = array<i64: 3128, 1>}, {transform_indices = @transform_5, window_bounds = array<i64: 3128, 32>}, {transform_indices = @transform_6, window_bounds = array<i64: 3128, 32>}]} {
    %get3A = arith.constant 0 : index
    %get3A_0 = arith.constant 0 : index
    %get3A_1 = vector.load %arg2[%get3A, %get3A_0] : memref<8x64xf32, #tpu.memory_space<vmem>>, vector<8x64xf32>
    %slice3A = vector.extract_strided_slice %get3A_1 {offsets = [0, 0], sizes = [1, 64], strides = [1, 1]} : vector<8x64xf32> to vector<1x64xf32>
    %div3A = arith.constant 5.000000e+04 : f32
    %div3A_2 = vector.broadcast %div3A : f32 to vector<1x64xf32>
    %div3A_3 = arith.divf %slice3A, %div3A_2 : vector<1x64xf32>
    %slice3A_4 = vector.extract_strided_slice %get3A_1 {offsets = [1, 0], sizes = [1, 64], strides = [1, 1]} : vector<8x64xf32> to vector<1x64xf32>
    %div3A_5 = arith.constant 5.000000e+04 : f32
    %div3A_6 = vector.broadcast %div3A_5 : f32 to vector<1x64xf32>
    %div3A_7 = arith.divf %slice3A_4, %div3A_6 : vector<1x64xf32>
    %mul3A = arith.mulf %div3A_3, %div3A_3 : vector<1x64xf32>
    %sub3A = arith.subf %div3A_7, %mul3A : vector<1x64xf32>
    %add3A = arith.constant 9.99999974E-6 : f32
    %add3A_8 = vector.broadcast %add3A : f32 to vector<1x64xf32>
    %add3A_9 = arith.addf %sub3A, %add3A_8 : vector<1x64xf32>
    %rsqrt3A = math.rsqrt %add3A_9 : vector<1x64xf32>
    %get3A_10 = arith.constant 0 : index
    %get3A_11 = arith.constant 0 : index
    %get3A_12 = vector.load %arg1[%get3A_10, %get3A_11] : memref<3128x64xf32, #tpu.memory_space<vmem>>, vector<3128x64xf32>
    %sub3A_13 = vector.broadcast %div3A_3 : vector<1x64xf32> to vector<3128x64xf32>
    %sub3A_14 = arith.subf %get3A_12, %sub3A_13 : vector<3128x64xf32>
    %mul3A_15 = vector.broadcast %rsqrt3A : vector<1x64xf32> to vector<3128x64xf32>
    %mul3A_16 = arith.mulf %sub3A_14, %mul3A_15 : vector<3128x64xf32>
    %get3A_17 = arith.constant 0 : index
    %get3A_18 = arith.constant 0 : index
    %get3A_19 = vector.load %arg3[%get3A_17, %get3A_18] : memref<1x64xf32, #tpu.memory_space<vmem>>, vector<1x64xf32>
    %mul3A_20 = vector.broadcast %get3A_19 : vector<1x64xf32> to vector<3128x64xf32>
    %mul3A_21 = arith.mulf %mul3A_16, %mul3A_20 : vector<3128x64xf32>
    %get3A_22 = arith.constant 0 : index
    %get3A_23 = arith.constant 0 : index
    %get3A_24 = vector.load %arg4[%get3A_22, %get3A_23] : memref<1x64xf32, #tpu.memory_space<vmem>>, vector<1x64xf32>
    %add3A_25 = vector.broadcast %get3A_24 : vector<1x64xf32> to vector<3128x64xf32>
    %add3A_26 = arith.addf %mul3A_21, %add3A_25 : vector<3128x64xf32>
    %get3A_27 = arith.constant 0 : index
    %get3A_28 = arith.constant 0 : index
    %get3A_29 = vector.load %arg5[%get3A_27, %get3A_28] : memref<3128x1xf32, #tpu.memory_space<vmem>>, vector<3128x1xf32>
    %mul3A_30 = vector.broadcast %get3A_29 : vector<3128x1xf32> to vector<3128x64xf32>
    %mul3A_31 = arith.mulf %mul3A_30, %add3A_26 : vector<3128x64xf32>
    %slice3A_32 = vector.extract_strided_slice %mul3A_31 {offsets = [0, 0], sizes = [3128, 32], strides = [1, 1]} : vector<3128x64xf32> to vector<3128x32xf32>
    %swap3A = arith.constant 0 : index
    %swap3A_33 = arith.constant 0 : index
    %swap3A_34 = vector.load %arg6[%swap3A, %swap3A_33] : memref<3128x32xf32, #tpu.memory_space<vmem>>, vector<3128x32xf32>
    tpu.vector_store %arg6[%swap3A, %swap3A_33], %slice3A_32 {strides = array<i32>} : memref<3128x32xf32, #tpu.memory_space<vmem>>, vector<3128x32xf32>,
    %slice3A_35 = vector.extract_strided_slice %mul3A_31 {offsets = [0, 32], sizes = [3128, 32], strides = [1, 1]} : vector<3128x64xf32> to vector<3128x32xf32>
    %swap3A_36 = arith.constant 0 : index
    %swap3A_37 = arith.constant 0 : index
    %swap3A_38 = vector.load %arg7[%swap3A_36, %swap3A_37] : memref<3128x32xf32, #tpu.memory_space<vmem>>, vector<3128x32xf32>
    tpu.vector_store %arg7[%swap3A_36, %swap3A_37], %slice3A_35 {strides = array<i32>} : memref<3128x32xf32, #tpu.memory_space<vmem>>, vector<3128x32xf32>,
    return
  }
  func.func @transform_0(%arg0: i32) -> (i32, i32) {
    %c0_i32 = arith.constant 0 : i32
    %c0_i32_0 = arith.constant 0 : i32
    return %arg0, %c0_i32 : i32, i32
  }
  func.func @transform_1(%arg0: i32) -> (i32, i32) {
    %c0_i32 = arith.constant 0 : i32
    %c0_i32_0 = arith.constant 0 : i32
    %c0_i32_1 = arith.constant 0 : i32
    return %c0_i32, %c0_i32_0 : i32, i32
  }
  func.func @transform_2(%arg0: i32) -> (i32, i32) {
    %c0_i32 = arith.constant 0 : i32
    %c0_i32_0 = arith.constant 0 : i32
    %c0_i32_1 = arith.constant 0 : i32
    return %c0_i32, %c0_i32_0 : i32, i32
  }
  func.func @transform_3(%arg0: i32) -> (i32, i32) {
    %c0_i32 = arith.constant 0 : i32
    %c0_i32_0 = arith.constant 0 : i32
    %c0_i32_1 = arith.constant 0 : i32
    return %c0_i32, %c0_i32_0 : i32, i32
  }
  func.func @transform_4(%arg0: i32) -> (i32, i32) {
    %c0_i32 = arith.constant 0 : i32
    %c0_i32_0 = arith.constant 0 : i32
    return %arg0, %c0_i32 : i32, i32
  }
  func.func @transform_5(%arg0: i32) -> (i32, i32) {
    %c0_i32 = arith.constant 0 : i32
    %c0_i32_0 = arith.constant 0 : i32
    return %arg0, %c0_i32 : i32, i32
  }
  func.func @transform_6(%arg0: i32) -> (i32, i32) {
    %c0_i32 = arith.constant 0 : i32
    %c0_i32_0 = arith.constant 0 : i32
    return %arg0, %c0_i32 : i32, i32
  }
}

module attributes {stable_mosaic.version = 14 : i64} {
  func.func @body(%arg0: i32, %arg1: memref<3128x64xf32, #tpu.memory_space<vmem>>, %arg2: memref<8x64xf32, #tpu.memory_space<vmem>>, %arg3: memref<1x64xf32, #tpu.memory_space<vmem>>, %arg4: memref<1x64xf32, #tpu.memory_space<vmem>>, %arg5: memref<3128x32xf32, #tpu.memory_space<vmem>>, %arg6: memref<3128x32xf32, #tpu.memory_space<vmem>>, %arg7: memref<3128x32xf32, #tpu.memory_space<vmem>>, %arg8: memref<3128x32xf32, #tpu.memory_space<vmem>>, %arg9: memref<3128x1xf32, #tpu.memory_space<vmem>>, %arg10: memref<3x64x64xf32, #tpu.memory_space<vmem>>, %arg11: memref<1x64xf32, #tpu.memory_space<vmem>>, %arg12: memref<3128x64xf32, #tpu.memory_space<vmem>>, %arg13: memref<8x64xf32, #tpu.memory_space<vmem>>) attributes {dimension_semantics = [#tpu.dimension_semantics<arbitrary>], iteration_bounds = array<i64: 16>, scalar_prefetch = 0 : i64, scratch_operands = 0 : i64, tpu.core_type = #tpu.core_type<tc>, window_params = [{transform_indices = @transform_0, window_bounds = array<i64: 3128, 64>}, {pipeline_mode = #tpu.pipeline_mode<synchronous>, transform_indices = @transform_1, window_bounds = array<i64: 8, 64>}, {pipeline_mode = #tpu.pipeline_mode<synchronous>, transform_indices = @transform_2, window_bounds = array<i64: 1, 64>}, {pipeline_mode = #tpu.pipeline_mode<synchronous>, transform_indices = @transform_3, window_bounds = array<i64: 1, 64>}, {transform_indices = @transform_4, window_bounds = array<i64: 3128, 32>}, {transform_indices = @transform_5, window_bounds = array<i64: 3128, 32>}, {transform_indices = @transform_6, window_bounds = array<i64: 3128, 32>}, {transform_indices = @transform_7, window_bounds = array<i64: 3128, 32>}, {transform_indices = @transform_8, window_bounds = array<i64: 3128, 1>}, {pipeline_mode = #tpu.pipeline_mode<synchronous>, transform_indices = @transform_9, window_bounds = array<i64: 3, 64, 64>}, {pipeline_mode = #tpu.pipeline_mode<synchronous>, transform_indices = @transform_10, window_bounds = array<i64: 1, 64>}, {transform_indices = @transform_11, window_bounds = array<i64: 3128, 64>}, {pipeline_mode = #tpu.pipeline_mode<synchronous>, transform_indices = @transform_12, window_bounds = array<i64: 8, 64>}]} {
    %get3A = arith.constant 0 : index
    %get3A_0 = arith.constant 0 : index
    %get3A_1 = vector.load %arg2[%get3A, %get3A_0] : memref<8x64xf32, #tpu.memory_space<vmem>>, vector<8x64xf32>
    %slice3A = vector.extract_strided_slice %get3A_1 {offsets = [0, 0], sizes = [1, 64], strides = [1, 1]} : vector<8x64xf32> to vector<1x64xf32>
    %div3A = arith.constant 5.000000e+04 : f32
    %div3A_2 = vector.broadcast %div3A : f32 to vector<1x64xf32>
    %div3A_3 = arith.divf %slice3A, %div3A_2 : vector<1x64xf32>
    %slice3A_4 = vector.extract_strided_slice %get3A_1 {offsets = [1, 0], sizes = [1, 64], strides = [1, 1]} : vector<8x64xf32> to vector<1x64xf32>
    %div3A_5 = arith.constant 5.000000e+04 : f32
    %div3A_6 = vector.broadcast %div3A_5 : f32 to vector<1x64xf32>
    %div3A_7 = arith.divf %slice3A_4, %div3A_6 : vector<1x64xf32>
    %mul3A = arith.mulf %div3A_3, %div3A_3 : vector<1x64xf32>
    %sub3A = arith.subf %div3A_7, %mul3A : vector<1x64xf32>
    %add3A = arith.constant 9.99999974E-6 : f32
    %add3A_8 = vector.broadcast %add3A : f32 to vector<1x64xf32>
    %add3A_9 = arith.addf %sub3A, %add3A_8 : vector<1x64xf32>
    %rsqrt3A = math.rsqrt %add3A_9 : vector<1x64xf32>
    %get3A_10 = arith.constant 0 : index
    %get3A_11 = arith.constant 0 : index
    %get3A_12 = vector.load %arg1[%get3A_10, %get3A_11] : memref<3128x64xf32, #tpu.memory_space<vmem>>, vector<3128x64xf32>
    %sub3A_13 = vector.broadcast %div3A_3 : vector<1x64xf32> to vector<3128x64xf32>
    %sub3A_14 = arith.subf %get3A_12, %sub3A_13 : vector<3128x64xf32>
    %mul3A_15 = vector.broadcast %rsqrt3A : vector<1x64xf32> to vector<3128x64xf32>
    %mul3A_16 = arith.mulf %sub3A_14, %mul3A_15 : vector<3128x64xf32>
    %get3A_17 = arith.constant 0 : index
    %get3A_18 = arith.constant 0 : index
    %get3A_19 = vector.load %arg3[%get3A_17, %get3A_18] : memref<1x64xf32, #tpu.memory_space<vmem>>, vector<1x64xf32>
    %mul3A_20 = vector.broadcast %get3A_19 : vector<1x64xf32> to vector<3128x64xf32>
    %mul3A_21 = arith.mulf %mul3A_16, %mul3A_20 : vector<3128x64xf32>
    %get3A_22 = arith.constant 0 : index
    %get3A_23 = arith.constant 0 : index
    %get3A_24 = vector.load %arg4[%get3A_22, %get3A_23] : memref<1x64xf32, #tpu.memory_space<vmem>>, vector<1x64xf32>
    %add3A_25 = vector.broadcast %get3A_24 : vector<1x64xf32> to vector<3128x64xf32>
    %add3A_26 = arith.addf %mul3A_21, %add3A_25 : vector<3128x64xf32>
    %get3A_27 = arith.constant 0 : index
    %get3A_28 = arith.constant 0 : index
    %get3A_29 = vector.load %arg9[%get3A_27, %get3A_28] : memref<3128x1xf32, #tpu.memory_space<vmem>>, vector<3128x1xf32>
    %get3A_30 = arith.constant 0 : index
    %get3A_31 = arith.constant 0 : index
    %get3A_32 = vector.load %arg5[%get3A_30, %get3A_31] : memref<3128x32xf32, #tpu.memory_space<vmem>>, vector<3128x32xf32>
    %get3A_33 = arith.constant 0 : index
    %get3A_34 = arith.constant 0 : index
    %get3A_35 = vector.load %arg6[%get3A_33, %get3A_34] : memref<3128x32xf32, #tpu.memory_space<vmem>>, vector<3128x32xf32>
    %concatenate3A = tpu.concatenate %get3A_32, %get3A_35 in 1 : vector<3128x32xf32>, vector<3128x32xf32> -> vector<3128x64xf32>
    %get3A_36 = arith.constant 0 : index
    %get3A_37 = arith.constant 0 : index
    %get3A_38 = vector.load %arg7[%get3A_36, %get3A_37] : memref<3128x32xf32, #tpu.memory_space<vmem>>, vector<3128x32xf32>
    %get3A_39 = arith.constant 0 : index
    %get3A_40 = arith.constant 0 : index
    %get3A_41 = vector.load %arg8[%get3A_39, %get3A_40] : memref<3128x32xf32, #tpu.memory_space<vmem>>, vector<3128x32xf32>
    %concatenate3A_42 = tpu.concatenate %get3A_38, %get3A_41 in 1 : vector<3128x32xf32>, vector<3128x32xf32> -> vector<3128x64xf32>
    %neg3A = arith.constant 0.000000e+00 : f32
    %neg3A_43 = vector.broadcast %neg3A : f32 to vector<3128x1xf32>
    %neg3A_44 = arith.subf %neg3A_43, %get3A_29 : vector<3128x1xf32>
    %mul3A_45 = vector.broadcast %neg3A_44 : vector<3128x1xf32> to vector<3128x64xf32>
    %mul3A_46 = arith.mulf %mul3A_45, %concatenate3A : vector<3128x64xf32>
    %mul3A_47 = arith.constant -2.000000e+00 : f32
    %mul3A_48 = vector.broadcast %mul3A_47 : f32 to vector<3128x1xf32>
    %mul3A_49 = arith.mulf %mul3A_48, %get3A_29 : vector<3128x1xf32>
    %mul3A_50 = vector.broadcast %mul3A_49 : vector<3128x1xf32> to vector<3128x64xf32>
    %mul3A_51 = arith.mulf %mul3A_50, %concatenate3A_42 : vector<3128x64xf32>
    %sub3A_52 = arith.subf %mul3A_51, %add3A_26 : vector<3128x64xf32>
    %get3A_53 = arith.constant 0 : index
    %get3A_54 = arith.constant 0 : index
    %get3A_55 = arith.constant 0 : index
    %get3A_56 = vector.load %arg10[%get3A_53, %get3A_54, %get3A_55] : memref<3x64x64xf32, #tpu.memory_space<vmem>>, vector<3x64x64xf32>
    %slice3A_57 = vector.extract_strided_slice %get3A_56 {offsets = [0, 0, 0], sizes = [1, 64, 64], strides = [1, 1, 1]} : vector<3x64x64xf32> to vector<1x64x64xf32>
    %squeeze3A = vector.shape_cast %slice3A_57 : vector<1x64x64xf32> to vector<64x64xf32>
    %dot_general3A = arith.constant dense<0.000000e+00> : vector<3128x64xf32>
    %dot_general3A_58 = tpu.matmul %add3A_26, %squeeze3A, %dot_general3A {dimension_numbers = #tpu.dot_dimension_numbers<[1], [0], [0], [1], [0, 0, 1, 1], [], []>, transpose_lhs_hint = false} : vector<3128x64xf32>, vector<64x64xf32>, vector<3128x64xf32> -> vector<3128x64xf32>
    %slice3A_59 = vector.extract_strided_slice %get3A_56 {offsets = [1, 0, 0], sizes = [1, 64, 64], strides = [1, 1, 1]} : vector<3x64x64xf32> to vector<1x64x64xf32>
    %squeeze3A_60 = vector.shape_cast %slice3A_59 : vector<1x64x64xf32> to vector<64x64xf32>
    %dot_general3A_61 = arith.constant dense<0.000000e+00> : vector<3128x64xf32>
    %dot_general3A_62 = tpu.matmul %mul3A_46, %squeeze3A_60, %dot_general3A_61 {dimension_numbers = #tpu.dot_dimension_numbers<[1], [0], [0], [1], [0, 0, 1, 1], [], []>, transpose_lhs_hint = false} : vector<3128x64xf32>, vector<64x64xf32>, vector<3128x64xf32> -> vector<3128x64xf32>
    %add3A_63 = arith.addf %dot_general3A_58, %dot_general3A_62 : vector<3128x64xf32>
    %slice3A_64 = vector.extract_strided_slice %get3A_56 {offsets = [2, 0, 0], sizes = [1, 64, 64], strides = [1, 1, 1]} : vector<3x64x64xf32> to vector<1x64x64xf32>
    %squeeze3A_65 = vector.shape_cast %slice3A_64 : vector<1x64x64xf32> to vector<64x64xf32>
    %dot_general3A_66 = arith.constant dense<0.000000e+00> : vector<3128x64xf32>
    %dot_general3A_67 = tpu.matmul %sub3A_52, %squeeze3A_65, %dot_general3A_66 {dimension_numbers = #tpu.dot_dimension_numbers<[1], [0], [0], [1], [0, 0, 1, 1], [], []>, transpose_lhs_hint = false} : vector<3128x64xf32>, vector<64x64xf32>, vector<3128x64xf32> -> vector<3128x64xf32>
    %add3A_68 = arith.addf %add3A_63, %dot_general3A_67 : vector<3128x64xf32>
    %get3A_69 = arith.constant 0 : index
    %get3A_70 = arith.constant 0 : index
    %get3A_71 = vector.load %arg11[%get3A_69, %get3A_70] : memref<1x64xf32, #tpu.memory_space<vmem>>, vector<1x64xf32>
    %add3A_72 = vector.broadcast %get3A_71 : vector<1x64xf32> to vector<3128x64xf32>
    %add3A_73 = arith.addf %add3A_68, %add3A_72 : vector<3128x64xf32>
    %max3A = arith.constant 0.000000e+00 : f32
    %max3A_74 = vector.broadcast %max3A : f32 to vector<3128x64xf32>
    %max3A_75 = arith.maximumf %add3A_73, %max3A_74 : vector<3128x64xf32>
    %swap3A = arith.constant 0 : index
    %swap3A_76 = arith.constant 0 : index
    %swap3A_77 = vector.load %arg12[%swap3A, %swap3A_76] : memref<3128x64xf32, #tpu.memory_space<vmem>>, vector<3128x64xf32>
    tpu.vector_store %arg12[%swap3A, %swap3A_76], %max3A_75 {strides = array<i32>} : memref<3128x64xf32, #tpu.memory_space<vmem>>, vector<3128x64xf32>,
    %mul3A_78 = arith.constant 3128 : i32
    %mul3A_79 = arith.muli %arg0, %mul3A_78 : i32
    %iota3A = tpu.iota {dimensions = array<i32: 0>} : vector<3128x1xi32>
    %add3A_80 = vector.broadcast %mul3A_79 : i32 to vector<3128x1xi32>
    %add3A_81 = arith.addi %add3A_80, %iota3A : vector<3128x1xi32>
    %lt3A = arith.constant 50000 : i32
    %lt3A_82 = vector.broadcast %lt3A : i32 to vector<3128x1xi32>
    %lt3A_83 = arith.cmpi slt, %add3A_81, %lt3A_82 : vector<3128x1xi32>
    %jit3A = arith.constant 0.000000e+00 : f32
    %broadcast_in_dim3A = vector.shape_cast %lt3A_83 : vector<3128x1xi1> to vector<3128x1xi1>
    %broadcast_in_dim3A_84 = vector.broadcast %broadcast_in_dim3A : vector<3128x1xi1> to vector<3128x64xi1>
    %broadcast_in_dim3A_85 = vector.broadcast %jit3A : f32 to vector<3128x64xf32>
    %select_n3A = arith.select %broadcast_in_dim3A_84, %max3A_75, %broadcast_in_dim3A_85 : vector<3128x64xi1>, vector<3128x64xf32>
    %reduce_sum3A = arith.constant dense<0.000000e+00> : vector<64xf32>
    %reduce_sum3A_86 = vector.multi_reduction <add>, %select_n3A, %reduce_sum3A [0] : vector<3128x64xf32> to vector<64xf32>
    %broadcast_in_dim3A_87 = vector.shape_cast %reduce_sum3A_86 : vector<64xf32> to vector<1x64xf32>
    %mul3A_88 = arith.mulf %select_n3A, %select_n3A : vector<3128x64xf32>
    %reduce_sum3A_89 = arith.constant dense<0.000000e+00> : vector<64xf32>
    %reduce_sum3A_90 = vector.multi_reduction <add>, %mul3A_88, %reduce_sum3A_89 [0] : vector<3128x64xf32> to vector<64xf32>
    %broadcast_in_dim3A_91 = vector.shape_cast %reduce_sum3A_90 : vector<64xf32> to vector<1x64xf32>
    %broadcast_in_dim3A_92 = arith.constant 0.000000e+00 : f32
    %broadcast_in_dim3A_93 = vector.broadcast %broadcast_in_dim3A_92 : f32 to vector<6x64xf32>
    %concatenate3A_94 = tpu.concatenate %broadcast_in_dim3A_87, %broadcast_in_dim3A_91, %broadcast_in_dim3A_93 in 0 : vector<1x64xf32>, vector<1x64xf32>, vector<6x64xf32> -> vector<8x64xf32>
    %eq3A = arith.constant 0 : i32
    %eq3A_95 = arith.cmpi eq, %arg0, %eq3A : i32
    %convert_element_type3A = arith.extui %eq3A_95 : i1 to i32
    %cond3A = arith.constant 0 : i32
    %cond3A_96 = arith.cmpi ne, %convert_element_type3A, %cond3A : i32
    scf.if %cond3A_96 {
      %broadcast_in_dim3A_104 = arith.constant 0.000000e+00 : f32
      %broadcast_in_dim3A_105 = vector.broadcast %broadcast_in_dim3A_104 : f32 to vector<8x64xf32>
      %swap3A_106 = arith.constant 0 : index
      %swap3A_107 = arith.constant 0 : index
      %swap3A_108 = vector.load %arg13[%swap3A_106, %swap3A_107] : memref<8x64xf32, #tpu.memory_space<vmem>>, vector<8x64xf32>
      tpu.vector_store %arg13[%swap3A_106, %swap3A_107], %broadcast_in_dim3A_105 {strides = array<i32>} : memref<8x64xf32, #tpu.memory_space<vmem>>, vector<8x64xf32>,
    } else {
    }
    %get3A_97 = arith.constant 0 : index
    %get3A_98 = arith.constant 0 : index
    %get3A_99 = vector.load %arg13[%get3A_97, %get3A_98] : memref<8x64xf32, #tpu.memory_space<vmem>>, vector<8x64xf32>
    %add3A_100 = arith.addf %get3A_99, %concatenate3A_94 : vector<8x64xf32>
    %swap3A_101 = arith.constant 0 : index
    %swap3A_102 = arith.constant 0 : index
    %swap3A_103 = vector.load %arg13[%swap3A_101, %swap3A_102] : memref<8x64xf32, #tpu.memory_space<vmem>>, vector<8x64xf32>
    tpu.vector_store %arg13[%swap3A_101, %swap3A_102], %add3A_100 {strides = array<i32>} : memref<8x64xf32, #tpu.memory_space<vmem>>, vector<8x64xf32>,
    return
  }
  func.func @transform_0(%arg0: i32) -> (i32, i32) {
    %c0_i32 = arith.constant 0 : i32
    %c0_i32_0 = arith.constant 0 : i32
    return %arg0, %c0_i32 : i32, i32
  }
  func.func @transform_1(%arg0: i32) -> (i32, i32) {
    %c0_i32 = arith.constant 0 : i32
    %c0_i32_0 = arith.constant 0 : i32
    %c0_i32_1 = arith.constant 0 : i32
    return %c0_i32, %c0_i32_0 : i32, i32
  }
  func.func @transform_2(%arg0: i32) -> (i32, i32) {
    %c0_i32 = arith.constant 0 : i32
    %c0_i32_0 = arith.constant 0 : i32
    %c0_i32_1 = arith.constant 0 : i32
    return %c0_i32, %c0_i32_0 : i32, i32
  }
  func.func @transform_3(%arg0: i32) -> (i32, i32) {
    %c0_i32 = arith.constant 0 : i32
    %c0_i32_0 = arith.constant 0 : i32
    %c0_i32_1 = arith.constant 0 : i32
    return %c0_i32, %c0_i32_0 : i32, i32
  }
  func.func @transform_4(%arg0: i32) -> (i32, i32) {
    %c0_i32 = arith.constant 0 : i32
    %c0_i32_0 = arith.constant 0 : i32
    return %arg0, %c0_i32 : i32, i32
  }
  func.func @transform_5(%arg0: i32) -> (i32, i32) {
    %c0_i32 = arith.constant 0 : i32
    %c0_i32_0 = arith.constant 0 : i32
    return %arg0, %c0_i32 : i32, i32
  }
  func.func @transform_6(%arg0: i32) -> (i32, i32) {
    %c0_i32 = arith.constant 0 : i32
    %c0_i32_0 = arith.constant 0 : i32
    return %arg0, %c0_i32 : i32, i32
  }
  func.func @transform_7(%arg0: i32) -> (i32, i32) {
    %c0_i32 = arith.constant 0 : i32
    %c0_i32_0 = arith.constant 0 : i32
    return %arg0, %c0_i32 : i32, i32
  }
  func.func @transform_8(%arg0: i32) -> (i32, i32) {
    %c0_i32 = arith.constant 0 : i32
    %c0_i32_0 = arith.constant 0 : i32
    return %arg0, %c0_i32 : i32, i32
  }
  func.func @transform_9(%arg0: i32) -> (i32, i32, i32) {
    %c0_i32 = arith.constant 0 : i32
    %c0_i32_0 = arith.constant 0 : i32
    %c0_i32_1 = arith.constant 0 : i32
    %c0_i32_2 = arith.constant 0 : i32
    return %c0_i32, %c0_i32_0, %c0_i32_1 : i32, i32, i32
  }
  func.func @transform_10(%arg0: i32) -> (i32, i32) {
    %c0_i32 = arith.constant 0 : i32
    %c0_i32_0 = arith.constant 0 : i32
    %c0_i32_1 = arith.constant 0 : i32
    return %c0_i32, %c0_i32_0 : i32, i32
  }
  func.func @transform_11(%arg0: i32) -> (i32, i32) {
    %c0_i32 = arith.constant 0 : i32
    %c0_i32_0 = arith.constant 0 : i32
    return %arg0, %c0_i32 : i32, i32
  }
  func.func @transform_12(%arg0: i32) -> (i32, i32) {
    %c0_i32 = arith.constant 0 : i32
    %c0_i32_0 = arith.constant 0 : i32
    %c0_i32_1 = arith.constant 0 : i32
    return %c0_i32, %c0_i32_0 : i32, i32
  }
}

module attributes {stable_mosaic.version = 14 : i64} {
  func.func @body(%arg0: i32, %arg1: memref<3128x64xf32, #tpu.memory_space<vmem>>, %arg2: memref<8x64xf32, #tpu.memory_space<vmem>>, %arg3: memref<1x64xf32, #tpu.memory_space<vmem>>, %arg4: memref<1x64xf32, #tpu.memory_space<vmem>>, %arg5: memref<3128x32xf32, #tpu.memory_space<vmem>>, %arg6: memref<3128x32xf32, #tpu.memory_space<vmem>>, %arg7: memref<3128x32xf32, #tpu.memory_space<vmem>>, %arg8: memref<3128x32xf32, #tpu.memory_space<vmem>>, %arg9: memref<3128x1xf32, #tpu.memory_space<vmem>>, %arg10: memref<3x64x64xf32, #tpu.memory_space<vmem>>, %arg11: memref<1x64xf32, #tpu.memory_space<vmem>>, %arg12: memref<3x64xf32, #tpu.memory_space<vmem>>, %arg13: memref<1x3xf32, #tpu.memory_space<vmem>>, %arg14: memref<3128x3xf32, #tpu.memory_space<vmem>>) attributes {dimension_semantics = [#tpu.dimension_semantics<arbitrary>], iteration_bounds = array<i64: 16>, scalar_prefetch = 0 : i64, scratch_operands = 0 : i64, tpu.core_type = #tpu.core_type<tc>, window_params = [{transform_indices = @transform_0, window_bounds = array<i64: 3128, 64>}, {pipeline_mode = #tpu.pipeline_mode<synchronous>, transform_indices = @transform_1, window_bounds = array<i64: 8, 64>}, {pipeline_mode = #tpu.pipeline_mode<synchronous>, transform_indices = @transform_2, window_bounds = array<i64: 1, 64>}, {pipeline_mode = #tpu.pipeline_mode<synchronous>, transform_indices = @transform_3, window_bounds = array<i64: 1, 64>}, {transform_indices = @transform_4, window_bounds = array<i64: 3128, 32>}, {transform_indices = @transform_5, window_bounds = array<i64: 3128, 32>}, {transform_indices = @transform_6, window_bounds = array<i64: 3128, 32>}, {transform_indices = @transform_7, window_bounds = array<i64: 3128, 32>}, {transform_indices = @transform_8, window_bounds = array<i64: 3128, 1>}, {pipeline_mode = #tpu.pipeline_mode<synchronous>, transform_indices = @transform_9, window_bounds = array<i64: 3, 64, 64>}, {pipeline_mode = #tpu.pipeline_mode<synchronous>, transform_indices = @transform_10, window_bounds = array<i64: 1, 64>}, {pipeline_mode = #tpu.pipeline_mode<synchronous>, transform_indices = @transform_11, window_bounds = array<i64: 3, 64>}, {pipeline_mode = #tpu.pipeline_mode<synchronous>, transform_indices = @transform_12, window_bounds = array<i64: 1, 3>}, {transform_indices = @transform_13, window_bounds = array<i64: 3128, 3>}]} {
    %get3A = arith.constant 0 : index
    %get3A_0 = arith.constant 0 : index
    %get3A_1 = vector.load %arg2[%get3A, %get3A_0] : memref<8x64xf32, #tpu.memory_space<vmem>>, vector<8x64xf32>
    %slice3A = vector.extract_strided_slice %get3A_1 {offsets = [0, 0], sizes = [1, 64], strides = [1, 1]} : vector<8x64xf32> to vector<1x64xf32>
    %div3A = arith.constant 5.000000e+04 : f32
    %div3A_2 = vector.broadcast %div3A : f32 to vector<1x64xf32>
    %div3A_3 = arith.divf %slice3A, %div3A_2 : vector<1x64xf32>
    %slice3A_4 = vector.extract_strided_slice %get3A_1 {offsets = [1, 0], sizes = [1, 64], strides = [1, 1]} : vector<8x64xf32> to vector<1x64xf32>
    %div3A_5 = arith.constant 5.000000e+04 : f32
    %div3A_6 = vector.broadcast %div3A_5 : f32 to vector<1x64xf32>
    %div3A_7 = arith.divf %slice3A_4, %div3A_6 : vector<1x64xf32>
    %mul3A = arith.mulf %div3A_3, %div3A_3 : vector<1x64xf32>
    %sub3A = arith.subf %div3A_7, %mul3A : vector<1x64xf32>
    %add3A = arith.constant 9.99999974E-6 : f32
    %add3A_8 = vector.broadcast %add3A : f32 to vector<1x64xf32>
    %add3A_9 = arith.addf %sub3A, %add3A_8 : vector<1x64xf32>
    %rsqrt3A = math.rsqrt %add3A_9 : vector<1x64xf32>
    %get3A_10 = arith.constant 0 : index
    %get3A_11 = arith.constant 0 : index
    %get3A_12 = vector.load %arg1[%get3A_10, %get3A_11] : memref<3128x64xf32, #tpu.memory_space<vmem>>, vector<3128x64xf32>
    %sub3A_13 = vector.broadcast %div3A_3 : vector<1x64xf32> to vector<3128x64xf32>
    %sub3A_14 = arith.subf %get3A_12, %sub3A_13 : vector<3128x64xf32>
    %mul3A_15 = vector.broadcast %rsqrt3A : vector<1x64xf32> to vector<3128x64xf32>
    %mul3A_16 = arith.mulf %sub3A_14, %mul3A_15 : vector<3128x64xf32>
    %get3A_17 = arith.constant 0 : index
    %get3A_18 = arith.constant 0 : index
    %get3A_19 = vector.load %arg3[%get3A_17, %get3A_18] : memref<1x64xf32, #tpu.memory_space<vmem>>, vector<1x64xf32>
    %mul3A_20 = vector.broadcast %get3A_19 : vector<1x64xf32> to vector<3128x64xf32>
    %mul3A_21 = arith.mulf %mul3A_16, %mul3A_20 : vector<3128x64xf32>
    %get3A_22 = arith.constant 0 : index
    %get3A_23 = arith.constant 0 : index
    %get3A_24 = vector.load %arg4[%get3A_22, %get3A_23] : memref<1x64xf32, #tpu.memory_space<vmem>>, vector<1x64xf32>
    %add3A_25 = vector.broadcast %get3A_24 : vector<1x64xf32> to vector<3128x64xf32>
    %add3A_26 = arith.addf %mul3A_21, %add3A_25 : vector<3128x64xf32>
    %get3A_27 = arith.constant 0 : index
    %get3A_28 = arith.constant 0 : index
    %get3A_29 = vector.load %arg9[%get3A_27, %get3A_28] : memref<3128x1xf32, #tpu.memory_space<vmem>>, vector<3128x1xf32>
    %get3A_30 = arith.constant 0 : index
    %get3A_31 = arith.constant 0 : index
    %get3A_32 = vector.load %arg5[%get3A_30, %get3A_31] : memref<3128x32xf32, #tpu.memory_space<vmem>>, vector<3128x32xf32>
    %get3A_33 = arith.constant 0 : index
    %get3A_34 = arith.constant 0 : index
    %get3A_35 = vector.load %arg6[%get3A_33, %get3A_34] : memref<3128x32xf32, #tpu.memory_space<vmem>>, vector<3128x32xf32>
    %concatenate3A = tpu.concatenate %get3A_32, %get3A_35 in 1 : vector<3128x32xf32>, vector<3128x32xf32> -> vector<3128x64xf32>
    %get3A_36 = arith.constant 0 : index
    %get3A_37 = arith.constant 0 : index
    %get3A_38 = vector.load %arg7[%get3A_36, %get3A_37] : memref<3128x32xf32, #tpu.memory_space<vmem>>, vector<3128x32xf32>
    %get3A_39 = arith.constant 0 : index
    %get3A_40 = arith.constant 0 : index
    %get3A_41 = vector.load %arg8[%get3A_39, %get3A_40] : memref<3128x32xf32, #tpu.memory_space<vmem>>, vector<3128x32xf32>
    %concatenate3A_42 = tpu.concatenate %get3A_38, %get3A_41 in 1 : vector<3128x32xf32>, vector<3128x32xf32> -> vector<3128x64xf32>
    %neg3A = arith.constant 0.000000e+00 : f32
    %neg3A_43 = vector.broadcast %neg3A : f32 to vector<3128x1xf32>
    %neg3A_44 = arith.subf %neg3A_43, %get3A_29 : vector<3128x1xf32>
    %mul3A_45 = vector.broadcast %neg3A_44 : vector<3128x1xf32> to vector<3128x64xf32>
    %mul3A_46 = arith.mulf %mul3A_45, %concatenate3A : vector<3128x64xf32>
    %mul3A_47 = arith.constant -2.000000e+00 : f32
    %mul3A_48 = vector.broadcast %mul3A_47 : f32 to vector<3128x1xf32>
    %mul3A_49 = arith.mulf %mul3A_48, %get3A_29 : vector<3128x1xf32>
    %mul3A_50 = vector.broadcast %mul3A_49 : vector<3128x1xf32> to vector<3128x64xf32>
    %mul3A_51 = arith.mulf %mul3A_50, %concatenate3A_42 : vector<3128x64xf32>
    %sub3A_52 = arith.subf %mul3A_51, %add3A_26 : vector<3128x64xf32>
    %get3A_53 = arith.constant 0 : index
    %get3A_54 = arith.constant 0 : index
    %get3A_55 = arith.constant 0 : index
    %get3A_56 = vector.load %arg10[%get3A_53, %get3A_54, %get3A_55] : memref<3x64x64xf32, #tpu.memory_space<vmem>>, vector<3x64x64xf32>
    %slice3A_57 = vector.extract_strided_slice %get3A_56 {offsets = [0, 0, 0], sizes = [1, 64, 64], strides = [1, 1, 1]} : vector<3x64x64xf32> to vector<1x64x64xf32>
    %squeeze3A = vector.shape_cast %slice3A_57 : vector<1x64x64xf32> to vector<64x64xf32>
    %dot_general3A = arith.constant dense<0.000000e+00> : vector<3128x64xf32>
    %dot_general3A_58 = tpu.matmul %add3A_26, %squeeze3A, %dot_general3A {dimension_numbers = #tpu.dot_dimension_numbers<[1], [0], [0], [1], [0, 0, 1, 1], [], []>, transpose_lhs_hint = false} : vector<3128x64xf32>, vector<64x64xf32>, vector<3128x64xf32> -> vector<3128x64xf32>
    %slice3A_59 = vector.extract_strided_slice %get3A_56 {offsets = [1, 0, 0], sizes = [1, 64, 64], strides = [1, 1, 1]} : vector<3x64x64xf32> to vector<1x64x64xf32>
    %squeeze3A_60 = vector.shape_cast %slice3A_59 : vector<1x64x64xf32> to vector<64x64xf32>
    %dot_general3A_61 = arith.constant dense<0.000000e+00> : vector<3128x64xf32>
    %dot_general3A_62 = tpu.matmul %mul3A_46, %squeeze3A_60, %dot_general3A_61 {dimension_numbers = #tpu.dot_dimension_numbers<[1], [0], [0], [1], [0, 0, 1, 1], [], []>, transpose_lhs_hint = false} : vector<3128x64xf32>, vector<64x64xf32>, vector<3128x64xf32> -> vector<3128x64xf32>
    %add3A_63 = arith.addf %dot_general3A_58, %dot_general3A_62 : vector<3128x64xf32>
    %slice3A_64 = vector.extract_strided_slice %get3A_56 {offsets = [2, 0, 0], sizes = [1, 64, 64], strides = [1, 1, 1]} : vector<3x64x64xf32> to vector<1x64x64xf32>
    %squeeze3A_65 = vector.shape_cast %slice3A_64 : vector<1x64x64xf32> to vector<64x64xf32>
    %dot_general3A_66 = arith.constant dense<0.000000e+00> : vector<3128x64xf32>
    %dot_general3A_67 = tpu.matmul %sub3A_52, %squeeze3A_65, %dot_general3A_66 {dimension_numbers = #tpu.dot_dimension_numbers<[1], [0], [0], [1], [0, 0, 1, 1], [], []>, transpose_lhs_hint = false} : vector<3128x64xf32>, vector<64x64xf32>, vector<3128x64xf32> -> vector<3128x64xf32>
    %add3A_68 = arith.addf %add3A_63, %dot_general3A_67 : vector<3128x64xf32>
    %get3A_69 = arith.constant 0 : index
    %get3A_70 = arith.constant 0 : index
    %get3A_71 = vector.load %arg11[%get3A_69, %get3A_70] : memref<1x64xf32, #tpu.memory_space<vmem>>, vector<1x64xf32>
    %add3A_72 = vector.broadcast %get3A_71 : vector<1x64xf32> to vector<3128x64xf32>
    %add3A_73 = arith.addf %add3A_68, %add3A_72 : vector<3128x64xf32>
    %mul3A_74 = arith.mulf %add3A_73, %add3A_73 : vector<3128x64xf32>
    %reduce_sum3A = arith.constant dense<0.000000e+00> : vector<3128xf32>
    %reduce_sum3A_75 = vector.multi_reduction <add>, %mul3A_74, %reduce_sum3A [1] : vector<3128x64xf32> to vector<3128xf32>
    %broadcast_in_dim3A = vector.shape_cast %reduce_sum3A_75 : vector<3128xf32> to vector<3128x1xf32>
    %sqrt3A = math.sqrt %broadcast_in_dim3A : vector<3128x1xf32>
    %max3A = arith.constant 9.99999996E-13 : f32
    %max3A_76 = vector.broadcast %max3A : f32 to vector<3128x1xf32>
    %max3A_77 = arith.maximumf %sqrt3A, %max3A_76 : vector<3128x1xf32>
    %div3A_78 = vector.broadcast %max3A_77 : vector<3128x1xf32> to vector<3128x64xf32>
    %div3A_79 = arith.divf %add3A_73, %div3A_78 : vector<3128x64xf32>
    %get3A_80 = arith.constant 0 : index
    %get3A_81 = arith.constant 0 : index
    %get3A_82 = vector.load %arg12[%get3A_80, %get3A_81] : memref<3x64xf32, #tpu.memory_space<vmem>>, vector<3x64xf32>
    %dot_general3A_83 = arith.constant dense<0.000000e+00> : vector<3128x3xf32>
    %dot_general3A_84 = tpu.matmul %div3A_79, %get3A_82, %dot_general3A_83 {dimension_numbers = #tpu.dot_dimension_numbers<[1], [1], [0], [0], [0, 0, 1, 0], [], []>, transpose_lhs_hint = false} : vector<3128x64xf32>, vector<3x64xf32>, vector<3128x3xf32> -> vector<3128x3xf32>
    %get3A_85 = arith.constant 0 : index
    %get3A_86 = arith.constant 0 : index
    %get3A_87 = vector.load %arg13[%get3A_85, %get3A_86] : memref<1x3xf32, #tpu.memory_space<vmem>>, vector<1x3xf32>
    %add3A_88 = vector.broadcast %get3A_87 : vector<1x3xf32> to vector<3128x3xf32>
    %add3A_89 = arith.addf %dot_general3A_84, %add3A_88 : vector<3128x3xf32>
    %swap3A = arith.constant 0 : index
    %swap3A_90 = arith.constant 0 : index
    %swap3A_91 = vector.load %arg14[%swap3A, %swap3A_90] : memref<3128x3xf32, #tpu.memory_space<vmem>>, vector<3128x3xf32>
    tpu.vector_store %arg14[%swap3A, %swap3A_90], %add3A_89 {strides = array<i32>} : memref<3128x3xf32, #tpu.memory_space<vmem>>, vector<3128x3xf32>,
    return
  }
  func.func @transform_0(%arg0: i32) -> (i32, i32) {
    %c0_i32 = arith.constant 0 : i32
    %c0_i32_0 = arith.constant 0 : i32
    return %arg0, %c0_i32 : i32, i32
  }
  func.func @transform_1(%arg0: i32) -> (i32, i32) {
    %c0_i32 = arith.constant 0 : i32
    %c0_i32_0 = arith.constant 0 : i32
    %c0_i32_1 = arith.constant 0 : i32
    return %c0_i32, %c0_i32_0 : i32, i32
  }
  func.func @transform_2(%arg0: i32) -> (i32, i32) {
    %c0_i32 = arith.constant 0 : i32
    %c0_i32_0 = arith.constant 0 : i32
    %c0_i32_1 = arith.constant 0 : i32
    return %c0_i32, %c0_i32_0 : i32, i32
  }
  func.func @transform_3(%arg0: i32) -> (i32, i32) {
    %c0_i32 = arith.constant 0 : i32
    %c0_i32_0 = arith.constant 0 : i32
    %c0_i32_1 = arith.constant 0 : i32
    return %c0_i32, %c0_i32_0 : i32, i32
  }
  func.func @transform_4(%arg0: i32) -> (i32, i32) {
    %c0_i32 = arith.constant 0 : i32
    %c0_i32_0 = arith.constant 0 : i32
    return %arg0, %c0_i32 : i32, i32
  }
  func.func @transform_5(%arg0: i32) -> (i32, i32) {
    %c0_i32 = arith.constant 0 : i32
    %c0_i32_0 = arith.constant 0 : i32
    return %arg0, %c0_i32 : i32, i32
  }
  func.func @transform_6(%arg0: i32) -> (i32, i32) {
    %c0_i32 = arith.constant 0 : i32
    %c0_i32_0 = arith.constant 0 : i32
    return %arg0, %c0_i32 : i32, i32
  }
  func.func @transform_7(%arg0: i32) -> (i32, i32) {
    %c0_i32 = arith.constant 0 : i32
    %c0_i32_0 = arith.constant 0 : i32
    return %arg0, %c0_i32 : i32, i32
  }
  func.func @transform_8(%arg0: i32) -> (i32, i32) {
    %c0_i32 = arith.constant 0 : i32
    %c0_i32_0 = arith.constant 0 : i32
    return %arg0, %c0_i32 : i32, i32
  }
  func.func @transform_9(%arg0: i32) -> (i32, i32, i32) {
    %c0_i32 = arith.constant 0 : i32
    %c0_i32_0 = arith.constant 0 : i32
    %c0_i32_1 = arith.constant 0 : i32
    %c0_i32_2 = arith.constant 0 : i32
    return %c0_i32, %c0_i32_0, %c0_i32_1 : i32, i32, i32
  }
  func.func @transform_10(%arg0: i32) -> (i32, i32) {
    %c0_i32 = arith.constant 0 : i32
    %c0_i32_0 = arith.constant 0 : i32
    %c0_i32_1 = arith.constant 0 : i32
    return %c0_i32, %c0_i32_0 : i32, i32
  }
  func.func @transform_11(%arg0: i32) -> (i32, i32) {
    %c0_i32 = arith.constant 0 : i32
    %c0_i32_0 = arith.constant 0 : i32
    %c0_i32_1 = arith.constant 0 : i32
    return %c0_i32, %c0_i32_0 : i32, i32
  }
  func.func @transform_12(%arg0: i32) -> (i32, i32) {
    %c0_i32 = arith.constant 0 : i32
    %c0_i32_0 = arith.constant 0 : i32
    %c0_i32_1 = arith.constant 0 : i32
    return %c0_i32, %c0_i32_0 : i32, i32
  }
  func.func @transform_13(%arg0: i32) -> (i32, i32) {
    %c0_i32 = arith.constant 0 : i32
    %c0_i32_0 = arith.constant 0 : i32
    return %arg0, %c0_i32 : i32, i32
  }
}

</mosaic_0001>

<sc_bundles>
// kernel: closed_call.38.cloned.1.call-start
scs
__scs_entry_jumppad:
0x0: {  	(pc) =	sbr.rel $0x88, $3  }
0x1: {  	(tag) =	ssettag $0x0;
	lr =	simm.s32 $0x1  }
0x2: {  	[smem:$0x3F8F] =	sst lr;
	_ =	strace $0xD0000000  }
0x3: {  	_ = 	snop  }
0x4: {  	_ = 	snop  }
0x5: {  	_ = 	snop  }
0x6: {  	_ = 	snop  }
0x7: {  	_ = 	snop  }
__scs_overlays_trampoline_lowered:
0x8: {  	[smem:$0x3F9E] =	sst s0  }
0x9: {  	[smem:$0x3F9F] =	sst s1  }
0xa: {  	[smem:$0x3FA0] =	sst s2  }
0xb: {  	[smem:$0x3FA1] =	sst s3  }
0xc: {  	[smem:$0x3FA2] =	sst s4  }
0xd: {  	[smem:$0x3FA3] =	sst s5  }
0xe: {  	[smem:$0x3FA4] =	sst s6  }
0xf: {  	[smem:$0x3FA5] =	sst s7  }
0x10: {  	[smem:$0x3FA6] =	sst s8  }
0x11: {  	[smem:$0x3FA7] =	sst s9;
	s0 =	simm.s32 @!p0 $0x0  }
0x12: {  	s1 =	sld [smem:$0x3F8D];
	s0 =	simm.s32 @p0 $0x1  }
0x13: {  	[smem:$0x3FA8] =	sst s0;
	s0 =	simm.s32 @!p1 $0x0  }
0x14: {  	s2 =	sld [smem:$0x3F8C];
	s0 =	simm.s32 @p1 $0x1  }
0x15: {  	[smem:$0x3FA9] =	sst s0;
	s0 =	simm.s32 @!p2 $0x0  }
0x16: {  	s3 =	sld [smem:$0x3FDB];
	s0 =	simm.s32 @p2 $0x1  }
0x17: {  	s4 =	simm.s32 $0x1BF5;
	[smem:$0x3FAB] =	sst s0  }
0x18: {  	s0 =	sld [smem:$0x3F8E];
	_ =	swait.ge [sflag:s4], $0x0  }
0x19: {  	s7 =	sld [smem:$0x3F8F]  }
0x1a: {  	s8 =	sadd.s32 $0xFFFFE003, lr  }
0x1b: {  	s9 =	sadd.s32 $0xFFFFFEF7, lr;
	s5 =	simm.s32 $0xFFFFFFFF;
	p2 =	slt.u32 s8, $0xFFFFF086  }
0x1c: {  	p1 =	slt.u32 s9, $0xF7A;
	s5 =	simm.s32 @!p2 $0x0  }
0x1d: {  	s5 =	simm.s32 @p1 $0x1;
	p0 =	seq.s32 s7, s2  }
0x1e: {  	s7 =	smul.u32 @!p0 $0xF7A, s2;
	p2 =	seq.s32 @!p0 s5, $0x0  }
0x1f: {  	s9 =	smul.u32 $0xF7A, s1;
	s8 =	simm.s32 @!p0 $0x1BF5;
	p2 =	por !p2, p0  }
0x20: {  	[sflag:s8] =	ssyncset.s32 @!p0 $0xFFFFF086;
	s6 =	sadd.s32 @!p0 s3, s7;
	s7 =	simm.s32 @!p0 $0x108  }
0x21: {  	s3 =	sadd.s32 s3, s9;
	s6 =	sadd.s32 @!p0 $0x88, s6;
	s7 =	simm.s32 @p2 $0x1082  }
0x22: {  	[simem:s7], [sflag:s8] =	dma.local @!p0 [hbm:s6], $0xF7A  }
0x23: {  	s9 =	sor.u32 $0xD0000000, s2;
	s6 =	simm.s32 $0x108;
	_ =	swait.ge @!p0 [sflag:s8], $0x0  }
0x24: {  	s3 =	sadd.s32 $0x88, s3;
	s6 =	simm.s32 @!p1 $0x1082;
	[sflag:s4] =	ssyncset.s32 $0xFFFFF086  }
0x25: {  	[simem:s6], [sflag:s4] =	dma.local [hbm:s3], $0xF7A  }
0x26: {  	[smem:$0x3F8F] =	sst s1;
	(tag) =	ssettag s2;
	_ =	strace s9  }
0x27: {  	s1 =	sld [smem:$0x3F9F]  }
0x28: {  	s2 =	sld [smem:$0x3FA0]  }
0x29: {  	s4 =	sld [smem:$0x3FA2]  }
0x2a: {  	p0 =	seq.s32 s5, $0x0;
	s5 =	sld [smem:$0x3FA3]  }
0x2b: {  	s6 =	sld [smem:$0x3FA4]  }
0x2c: {  	s7 =	sld [smem:$0x3FA5]  }
0x2d: {  	s3 =	simm.s32 $0x108;
	s8 =	sld [smem:$0x3FA6]  }
0x2e: {  	s3 =	simm.s32 @!p0 $0x1082;
	s9 =	sld [smem:$0x3FA7]  }
0x2f: {  	lr =	sadd.s32 s0, s3;
	s0 =	sld [smem:$0x3F9E]  }
0x30: {  	s3 =	sld [smem:$0x3FA1]  }
0x31: {  	[smem:$0x3FAA] =	sst s10  }
0x32: {  	s10 =	sld [smem:$0x3FA8];
	_ =	sdelay $0x3  }
0x33: {  	p0 =	seq.s32 s10, $0x1;
	s10 =	sld [smem:$0x3FAA];
	_ =	sdelay $0x3  }
0x34: {  	[smem:$0x3FAA] =	sst s10  }
0x35: {  	s10 =	sld [smem:$0x3FA9];
	_ =	sdelay $0x3  }
0x36: {  	p1 =	seq.s32 s10, $0x1;
	s10 =	sld [smem:$0x3FAA];
	_ =	sdelay $0x3  }
0x37: {  	[smem:$0x3FAA] =	sst s10  }
0x38: {  	s10 =	sld [smem:$0x3FAB]  }
0x39: {  	_ = 	snop;
	(pc) =	sbr.ind lr, $3  }
0x3a: {  	_ = 	snop  }
0x3b: {  	_ = 	snop  }
0x3c: {  	p2 =	seq.s32 s10, $0x1;
	s10 =	sld [smem:$0x3FAA]  }
0x3d: {  	_ =	shalt  }
0x3e: {  	_ =	shalt  }
0x3f: {  	_ =	shalt  }
0x40: {  	_ =	shalt  }
0x41: {  	_ =	shalt  }
0x42: {  	_ =	shalt  }
0x43: {  	_ =	shalt  }
0x44: {  	_ =	shalt  }
0x45: {  	_ =	shalt  }
0x46: {  	_ =	shalt  }
0x47: {  	_ =	shalt  }
0x48: {  	_ =	shalt  }
0x49: {  	_ =	shalt  }
0x4a: {  	_ =	shalt  }
0x4b: {  	_ =	shalt  }
0x4c: {  	_ =	shalt  }
0x4d: {  	_ =	shalt  }
0x4e: {  	_ =	shalt  }
0x4f: {  	_ =	shalt  }
0x50: {  	_ =	shalt  }
0x51: {  	_ =	shalt  }
0x52: {  	_ =	shalt  }
0x53: {  	_ =	shalt  }
0x54: {  	_ =	shalt  }
0x55: {  	_ =	shalt  }
0x56: {  	_ =	shalt  }
0x57: {  	_ =	shalt  }
0x58: {  	_ =	shalt  }
0x59: {  	_ =	shalt  }
0x5a: {  	_ =	shalt  }
0x5b: {  	_ =	shalt  }
0x5c: {  	_ =	shalt  }
0x5d: {  	_ =	shalt  }
0x5e: {  	_ =	shalt  }
0x5f: {  	_ =	shalt  }
0x60: {  	_ =	shalt  }
0x61: {  	_ =	shalt  }
0x62: {  	_ =	shalt  }
0x63: {  	_ =	shalt  }
0x64: {  	_ =	shalt  }
0x65: {  	_ =	shalt  }
0x66: {  	_ =	shalt  }
0x67: {  	_ =	shalt  }
0x68: {  	_ =	shalt  }
0x69: {  	_ =	shalt  }
0x6a: {  	_ =	shalt  }
0x6b: {  	_ =	shalt  }
0x6c: {  	_ =	shalt  }
0x6d: {  	_ =	shalt  }
0x6e: {  	_ =	shalt  }
0x6f: {  	_ =	shalt  }
0x70: {  	_ =	shalt  }
0x71: {  	_ =	shalt  }
0x72: {  	_ =	shalt  }
0x73: {  	_ =	shalt  }
0x74: {  	_ =	shalt  }
0x75: {  	_ =	shalt  }
0x76: {  	_ =	shalt  }
0x77: {  	_ =	shalt  }
0x78: {  	_ =	shalt  }
0x79: {  	_ =	shalt  }
0x7a: {  	_ =	shalt  }
0x7b: {  	_ =	shalt  }
0x7c: {  	_ =	shalt  }
0x7d: {  	_ =	shalt  }
0x7e: {  	_ =	shalt  }
0x7f: {  	_ =	shalt  }
0x80: {  	_ =	shalt  }
0x81: {  	_ =	shalt  }
0x82: {  	_ =	shalt  }
0x83: {  	_ =	shalt  }
0x84: {  	_ =	shalt  }
0x85: {  	_ =	shalt  }
0x86: {  	_ =	shalt  }
0x87: {  	_ =	shalt  }
.Lfunc_end0:
.L_simem_size_0:
called_computation_lowered:
.L_overlay_start_0:
0x88: {  	s2 =	sld [smem:$0x3FD9]  }
0x89: {  	s3 =	sld [smem:$0x3FFE];
	_ =	sdelay $0x1  }
0x8a: {  	s1 =	srdreg.scid  }
0x8b: {  	s0 =	sand.u32 $0x1, s1  }
0x8c: {  	s16 =	sshll.u32 s0, $0xA;
	s2 =	sadd.s32 s3, s2  }
0x8d: {  	s2 =	sadd.s32 s2, s16  }
0x8e: {  	[smem:$0x3FB6] =	sst s2  }
0x8f: {  	_ = 	snop  }
0x90: {  	(tm) =	ssettm $0x1  }
0x91: {  	s17 =	sld [smem:$0x3FFB];
	_ =	sdelay $0x3  }
0x92: {  	_ =	strace s17  }
0x93: {  	s2 =	sld [smem:$0x3FFC];
	_ =	sdelay $0x3  }
0x94: {  	_ =	strace s2  }
0x95: {  	s2 =	sld [smem:$0x3FFD];
	_ =	sdelay $0x3  }
0x96: {  	_ =	strace s2  }
0x97: {  	_ =	strace $0x8FFFFFFF  }
0x98: {  	s18 =	sld [smem:$0x3FDB];
	_ =	sdelay $0x1  }
0x99: {  	s19 =	simm.s32 $_scs_section_size  }
0x9a: {  	s4 =	simm.s32 $_size__tile_overlayer_lowered;
	s5 =	simm.s32 $_tile_overlayer_lowered  }
0x9b: {  	s22 =	simm.s32 $0x1BFF;
	s21 =	sshll.u32 s5, $0x1;
	s2 =	sadd.s32 s19, s18  }
0x9c: {  	s6 =	simm.s32 $0x0;
	s20 =	sshll.u32 s4, $0x1;
	s4 =	sadd.s32 s21, s2  }
0x9d: {  	[timem:s6], [sflag:s22] =	dma.local [hbm:s4], s20  }
0x9e: {  	_ =	swait.ge [sflag:s22], s20  }
0x9f: {  	s3 =	ssub.s32 $0x0, s20;
	[sflag:s22] =	ssyncset.done $0x0  }
0xa0: {  	[sflag:s22] =	ssyncadd.s32 s3;
	_ =	sdelay $0x1  }
0xa1: {  	s23 =	simm.s32 $0x1B8B  }
0xa2: {  	_ =	swait.ge [sflag:s23], $0x1  }
0xa3: {  	[sflag:s23] =	ssyncset.done $0x0  }
0xa4: {  	s25 =	simm.s32 $0x1B8E;
	s24 =	sld [smem:$0x3FFE];
	[sflag:s23] =	ssyncadd.s32 $0xFFFFFFFF  }
0xa5: {  	s26 =	simm.s32 $execute0_lowered;
	[smem:$0x3FD2] =	sst s25  }
0xa6: {  	s4 =	sshll.u32 s26, $0x1;
	_ =	strace $0x80000046;
	[dreg:$0x1] =	wrdreg $0xFFFFFFFF  }
0xa7: {  	s28 =	simm.s32 $_size_execute0_lowered;
	s2 =	sadd.s32 s2, s4;
	[dreg:$0x0] =	wrdreg $0x0  }
0xa8: {  	s4 =	sshll.u32 s28, $0x1;
	[dreg:$0x2] =	wrdreg s2  }
0xa9: {  	[dreg:$0x3] =	wrdreg s4  }
0xaa: {  	[dreg:$0x4] =	wrdreg $0xC0  }
0xab: {  	_ =	task [dreg:s6], $0x5FFFF  }
0xac: {  	[dreg:$0x1] =	wrdreg $0xFFFFFFFF  }
0xad: {  	[dreg:$0x0] =	wrdreg $0x60  }
0xae: {  	[dreg:$0x2] =	wrdreg s24  }
0xaf: {  	[dreg:$0x3] =	wrdreg $0x6A400  }
0xb0: {  	[dreg:$0x4] =	wrdreg $0x9  }
0xb1: {  	_ =	task.clear_ibuf [dreg:s6], $0x5FFFF;
	_ =	strace $0x90000046  }
0xb2: {  	s29 =	simm.s32 $0x9;
	_ =	strace $0x80000048  }
0xb3: {  	_ =	swait.ge [sflag:s29], $0x1  }
0xb4: {  	[sflag:s29] =	ssyncadd.s32 $0xFFFFFFFF  }
0xb5: {  	_ =	strace $0x90000048  }
0xb6: {  	_ =	sfence  }
0xb7: {  	s30 =	sld [smem:$0x0];
	_ =	sdelay $0x2  }
0xb8: {  	s31 =	sshll.u32 s1, $0xD;
	s1 =	sshrl.u32 s1, $0x2  }
0xb9: {  	s3 =	sand.u32 $0x4000, s31;
	s1 =	sadd.s32 s1, s30  }
0xba: {  	s0 =	sor.u32 s3, s0;
	s1 =	sshll.u32 s1, $0x11  }
0xbb: {  	s0 =	sor.u32 s1, s0  }
0xbc: {  	s0 =	sadd.s32 $0x8F2B, s0  }
0xbd: {  	[sflag:s0] =	ssyncadd.remote.s32 $0x1  }
0xbe: {  	_ =	sfence.sel $0xFFFF  }
0xbf: {  	[dreg:$0x0] =	wrdreg $0xFFFFFFFF;
	(pc) =	sbr.abs _section_cstart, $3  }
0xc0: {  	[dreg:$0x1] =	wrdreg $0xFFFFFFFF  }
0xc1: {  	_ =	task.clear_ibuf [dreg:s6], $0x2FFFF;
	_ =	strace $0x9FFFFFFF  }
0xc2: {  	(tm) =	ssettm $0x7FFFFFFF  }
0xc3: {  	_ =	shalt  }
tec
execute0_lowered:
.L_overlay_start_1:
0x0: {  	(tag) =	ssettag $0x1  }
0x1: {  	s0 =	rddreg [dreg:$0x0]  }
0x2: {  	s1 =	rddreg [dreg:$0x1];
	s3 =	simm.s32 $0x0;
	s4 =	stileid.u32  }
0x3: {  	s6 =	srdreg.scid;
	s16 =	simm.s32 $0x3;
	s19 =	simm.s32 $0x190  }
0x4: {  	s20 =	simm.s32 $0xC3500;
	s21 =	simm.s32 $0x320;
	s22 =	simm.s32 $0x3840  }
0x5: {  	s23 =	simm.s32 $0x1;
	s24 =	simm.s32 $0x640;
	s25 =	simm.s32 $0x4  }
0x6: {  	s28 =	simm.s32 $0x4B0;
	s29 =	simm.s32 $0x0;
	[smem:$0x7FF] =	sst s3  }
0x7: {  	s2 =	sadd.s32 $0x561000, s0;
	s5 =	sadd.s32 $0x560E00, s0;
	s10 =	smul.u32 $0x18700, s4  }
0x8: {  	s9 =	sand.u32 $0x1, s6;
	s8 =	smul.u32 $0xC350, s4;
	s6 =	sadd.s32 $0x591E00, s0  }
0x9: {  	s7 =	sadd.s32 $0x5F3A00, s0;
	s14 =	smul.u32 $0x186A, s4;
	s31 =	sshll.u32 s4, $0x6  }
0xa: {  	_ =	strace $0x80000047;
	[dreg:$0x3] =	wrdreg s5;
	s5 =	sadd.s32 $0x5C2C00, s0  }
0xb: {  	s11 =	ssub.s32 $0x2, s9;
	p0 =	seq.s32 s9, $0x1;
	s17 =	sor.u32 $0x1C03, s31  }
0xc: {  	s12 =	sshrl.u32 s10, $0x3;
	s13 =	sshrl.u32 s11, $0x1;
	s8 =	sshrl.u32 s8, $0x3  }
.Ltmp0:
0xd: {  	s10 =	sadd.s32 s10, s1;
	s14 =	sadd.s32 s14, s2;
	(pc) =	sbr.rel .LBB2_1-.Ltmp0, $4  }
0xe: {  	s0 =	sadd.s32 s12, s0;
	s26 =	ssub.s32 s11, s13;
	s8 =	sadd.s32 s2, s8  }
0xf: {  	s18 =	sshrl.u32 s10, $0x3;
	s9 =	sadd.s32 $0x32, s8;
	s30 =	sadd.s32 $0x5F6C00, s0  }
0x10: {  	s0 =	sadd.s32 $0x627A00, s0;
	s12 =	smax.u32 s26, $0x1;
	[dreg:$0x4] =	wrdreg s30  }
0x11: {  	s13 =	sadd.s32 $0x1838, s8;
	s26 =	simm.s32 $0x2;
	[dreg:$0x5] =	wrdreg s0  }
.LBB2_10:
0x12: {  	_ =	swait.ge [sflag:s25], $0x190  }
0x13: {  	[sflag:s25] =	ssyncset.done $0x0  }
0x14: {  	[sflag:s25] =	ssyncadd.s32 $0xFFFFFE70  }
.LBB2_11:
0x15: {  	[tilespmem:s24], [sflag:$0x1] =	stream.indirect.gather [hbm4b:s2+s19], $0x20, s3, s19, $0xb8;
	[tilespmem:$0x1F150] =	vst v63  }
0x16: {  	_ =	swait.ge [sflag:s26], $0x3200  }
0x17: {  	[sflag:s26] =	ssyncset.done $0x0  }
0x18: {  	[sflag:s26] =	ssyncadd.s32 $0xFFFFCE00  }
0x19: {  	[spmem:s1] =	stream.indirect.scatter.add.f32 [tilespmem:s22], [sflag:$0x4], $0x20, s28, s19, $0xb8;
	[tilespmem:$0x1F150] =	vst v63  }
0x1a: {  	_ =	swait.ge [sflag:s25], $0x3200  }
0x1b: {  	[sflag:s25] =	ssyncset.done $0x0  }
0x1c: {  	[sflag:s25] =	ssyncadd.s32 $0xFFFFCE00  }
0x1d: {  	_ =	swait.ge [sflag:s23], $0x3200  }
0x1e: {  	[sflag:s23] =	ssyncset.done $0x0  }
0x1f: {  	[sflag:s23] =	ssyncadd.s32 $0xFFFFCE00  }
0x20: {  	[spmem:s1] =	stream.indirect.scatter.add.f32 [tilespmem:s24], [sflag:$0x3], $0x20, s19, s19, $0xb8;
	[tilespmem:$0x1F150] =	vst v63  }
0x21: {  	_ =	swait.ge [sflag:s16], $0x3200  }
0x22: {  	s29 =	sadd.s32 $0x1, s29;
	[sflag:s16] =	ssyncset.done $0x0  }
0x23: {  	p1 =	sne.s32 s29, s12;
	[sflag:s16] =	ssyncadd.s32 $0xFFFFCE00  }
.Ltmp1:
0x24: {  	[bflag:$0x0] =	sbarrier.arrive $0xFFFF;
	(pc) =	sbr.rel @!p1 .LBB2_12-.Ltmp1, $4  }
0x25: {  	[hbm:s0], [sflag:s17] =	dma.local [spmem:s18], $0x30E0  }
0x26: {  	_ =	swait.ge [sflag:s16], $0x30E0  }
0x27: {  	[sflag:s16] =	ssyncset.done $0x0  }
0x28: {  	[sflag:s16] =	ssyncadd.s32 $0xFFFFCF20  }
.LBB2_1:
0x29: {  	s0 =	rddreg [dreg:$0x3];
	s2 =	simm.s32 $0x1F140  }
0x2a: {  	[tilespmem:s2], [sflag:$0x3] =	stream.linear.gather [hbm4b:s0+s3], $0x10, $0x38;
	[tilespmem:$0x1F150] =	vst v63  }
0x2b: {  	_ =	swait.ge [sflag:s16], $0x10  }
0x2c: {  	[sflag:s16] =	ssyncset.done $0x0  }
0x2d: {  	[sflag:s16] =	ssyncadd.s32 $0xFFFFFFF0  }
0x2e: {  	v0 =	vld [tilespmem:$0x1F140];
	_ =	sdelay $0x4  }
0x2f: {  	(v2sf) =	vpush v0, $0x0;
	_ =	sdelay $0xe  }
0x30: {  	s31 =	spop (v2sf)  }
0x31: {  	[spmem:s18], [sflag:s17] =	dma.local [hbm:s7], $0x30E0  }
0x32: {  	_ =	swait.ge [sflag:s16], $0x30E0  }
0x33: {  	[sflag:s16] =	ssyncset.done $0x0  }
0x34: {  	[sflag:s16] =	ssyncadd.s32 $0xFFFFCF20  }
.Ltmp2:
0x35: {  	[bflag:$0x0] =	sbarrier.arrive $0xFFFF;
	(pc) =	sbr.rel @!p0 .LBB2_2-.Ltmp2, $4  }
0x36: {  	[tilespmem:s3], [sflag:$0x3] =	stream.strided.gather [hbm4b:s8+s19], $0x320, s20, s19, $0x38;
	[tilespmem:$0x1F150] =	vst v63  }
0x37: {  	_ =	swait.ge [sflag:s16], $0x320  }
0x38: {  	[sflag:s16] =	ssyncset.done $0x0  }
0x39: {  	p1 =	sne.s32 s31, $0x0;
	[sflag:s16] =	ssyncadd.s32 $0xFFFFFCE0  }
0x3a: {  	s0 =	simm.s32 @p1 $0x190;
	s2 =	simm.s32 @p1 $0x0;
	s4 =	simm.s32 @p1 $0x640  }
0x3b: {  	[tilespmem:s4], [sflag:$0x1] =	stream.indirect.gather @p1 [hbm4b:s6+s0], $0x20, s2, s0, $0xb8;
	[tilespmem:$0x1F150] =	vst v63  }
0x3c: {  	s2 =	simm.s32 @p1 $0xC3500;
	s4 =	simm.s32 @p1 $0x320  }
0x3d: {  	[tilespmem:s4], [sflag:$0x3] =	stream.strided.gather @p1 [hbm4b:s9+s0], $0x320, s2, s0, $0x38;
	[tilespmem:$0x1F150] =	vst v63  }
0x3e: {  	s0 =	simm.s32 @p1 $0x3  }
0x3f: {  	_ =	swait.ge @p1 [sflag:s0], $0x320  }
0x40: {  	s30 =	simm.s32 @!p1 $0x0;
	[sflag:s0] =	ssyncset.done @p1 $0x0  }
0x41: {  	s31 =	simm.s32 @!p1 $0x190;
	[sflag:s0] =	ssyncadd.s32 @p1 $0xFFFFFCE0;
	s0 =	simm.s32 @!p1 $0x3  }
0x42: {  	[tilespmem:s31], [sflag:$0x3] =	stream.linear.gather @!p1 [hbm4b:s8+s30], $0x190, $0x38;
	[tilespmem:$0x1F150] =	vst v63  }
0x43: {  	_ =	swait.ge @!p1 [sflag:s0], $0x190  }
0x44: {  	[sflag:s0] =	ssyncset.done @!p1 $0x0  }
0x45: {  	s2 =	simm.s32 @!p1 $0x640;
	[sflag:s0] =	ssyncadd.s32 @!p1 $0xFFFFFE70  }
0x46: {  	[tilespmem:s2], [sflag:$0x1] =	stream.indirect.gather @!p1 [hbm4b:s6+s31], $0x20, s30, s31, $0xb8;
	[tilespmem:$0x1F150] =	vst v63  }
0x47: {  	s4 =	simm.s32 @!p1 $0x320;
	s2 =	simm.s32 @!p1 $0xC3500  }
0x48: {  	[tilespmem:s4], [sflag:$0x3] =	stream.strided.gather @!p1 [hbm4b:s9+s31], $0x320, s2, s31, $0x38;
	[tilespmem:$0x1F150] =	vst v63  }
0x49: {  	_ =	swait.ge @!p1 [sflag:s0], $0x320  }
0x4a: {  	[sflag:s0] =	ssyncset.done @!p1 $0x0  }
0x4b: {  	s2 =	simm.s32 @!p1 $0x4B0;
	[sflag:s0] =	ssyncadd.s32 @!p1 $0xFFFFFCE0  }
0x4c: {  	[tilespmem:s2], [sflag:$0x3] =	stream.linear.gather @!p1 [hbm4b:s9+s30], $0x190, $0x38;
	[tilespmem:$0x1F150] =	vst v63  }
0x4d: {  	_ =	swait.ge @!p1 [sflag:s0], $0x190  }
0x4e: {  	[sflag:s0] =	ssyncset.done @!p1 $0x0  }
0x4f: {  	[sflag:s0] =	ssyncadd.s32 @!p1 $0xFFFFFE70  }
0x50: {  	[tilespmem:s22], [sflag:$0x2] =	stream.indirect.gather [hbm4b:s6+s19], $0x20, s21, s19, $0xb8;
	[tilespmem:$0x1F150] =	vst v63  }
0x51: {  	_ =	swait.ge [sflag:s23], $0x3200  }
0x52: {  	[sflag:s23] =	ssyncset.done $0x0  }
0x53: {  	[sflag:s23] =	ssyncadd.s32 $0xFFFFCE00  }
0x54: {  	[spmem:s1] =	stream.indirect.scatter.add.f32 [tilespmem:s24], [sflag:$0x4], $0x20, s19, s19, $0xb8;
	[tilespmem:$0x1F150] =	vst v63  }
0x55: {  	_ =	swait.ge [sflag:s25], $0x3200  }
0x56: {  	s11 =	sadd.s32 $0xFFFFE82C, s14;
	[sflag:s25] =	ssyncset.done $0x0  }
0x57: {  	s10 =	sadd.s32 $0x1838, s11;
	[sflag:s25] =	ssyncadd.s32 $0xFFFFCE00  }
0x58: {  	[tilespmem:s3], [sflag:$0x4] =	stream.strided.gather [hbm4b:s10+s19], $0x320, s20, s19, $0x38;
	[tilespmem:$0x1F150] =	vst v63  }
0x59: {  	_ =	swait.ge [sflag:s25], $0x320  }
0x5a: {  	[sflag:s25] =	ssyncset.done $0x0  }
0x5b: {  	s15 =	simm.s32 @!p1 $0x4;
	[sflag:s25] =	ssyncadd.s32 $0xFFFFFCE0  }
0x5c: {  	[tilespmem:s31], [sflag:$0x4] =	stream.linear.gather @!p1 [hbm4b:s10+s30], $0x190, $0x38;
	[tilespmem:$0x1F150] =	vst v63  }
0x5d: {  	_ =	swait.ge @!p1 [sflag:s15], $0x190  }
0x5e: {  	[sflag:s15] =	ssyncset.done @!p1 $0x0  }
0x5f: {  	[sflag:s15] =	ssyncadd.s32 @!p1 $0xFFFFFE70  }
0x60: {  	[tilespmem:s24], [sflag:$0x1] =	stream.indirect.gather [hbm4b:s6+s19], $0x20, s3, s19, $0xb8;
	[tilespmem:$0x1F150] =	vst v63  }
0x61: {  	_ =	swait.ge [sflag:s26], $0x3200  }
0x62: {  	[sflag:s26] =	ssyncset.done $0x0  }
0x63: {  	[sflag:s26] =	ssyncadd.s32 $0xFFFFCE00  }
0x64: {  	[spmem:s1] =	stream.indirect.scatter.add.f32 [tilespmem:s22], [sflag:$0x4], $0x20, s28, s19, $0xb8;
	[tilespmem:$0x1F150] =	vst v63  }
0x65: {  	_ =	swait.ge [sflag:s25], $0x3200  }
0x66: {  	[sflag:s25] =	ssyncset.done $0x0  }
0x67: {  	s4 =	sadd.s32 $0x186A, s11;
	[sflag:s25] =	ssyncadd.s32 $0xFFFFCE00  }
0x68: {  	[tilespmem:s21], [sflag:$0x4] =	stream.strided.gather [hbm4b:s4+s19], $0x320, s20, s19, $0x38;
	[tilespmem:$0x1F150] =	vst v63  }
0x69: {  	_ =	swait.ge [sflag:s25], $0x320  }
0x6a: {  	[sflag:s25] =	ssyncset.done $0x0  }
0x6b: {  	[sflag:s25] =	ssyncadd.s32 $0xFFFFFCE0  }
0x6c: {  	[tilespmem:s2], [sflag:$0x3] =	stream.linear.gather @!p1 [hbm4b:s4+s30], $0x190, $0x38;
	[tilespmem:$0x1F150] =	vst v63  }
0x6d: {  	_ =	swait.ge @!p1 [sflag:s0], $0x190  }
0x6e: {  	s10 =	simm.s32 $0xFFFFE890;
	[sflag:s0] =	ssyncset.done @!p1 $0x0  }
.LBB2_7:
0x6f: {  	[sflag:s0] =	ssyncadd.s32 @!p1 $0xFFFFFE70;
	s4 =	smov.u32 s10;
	s10 =	sadd.s32 $0x64, s10  }
0x70: {  	[tilespmem:s22], [sflag:$0x2] =	stream.indirect.gather [hbm4b:s6+s19], $0x20, s21, s19, $0xb8;
	[tilespmem:$0x1F150] =	vst v63  }
0x71: {  	p2 =	sne.s32 s10, $0x0;
	_ =	swait.ge [sflag:s23], $0x3200  }
0x72: {  	[sflag:s23] =	ssyncset.done $0x0  }
0x73: {  	[sflag:s23] =	ssyncadd.s32 $0xFFFFCE00  }
0x74: {  	[spmem:s1] =	stream.indirect.scatter.add.f32 [tilespmem:s24], [sflag:$0x4], $0x20, s19, s19, $0xb8;
	[tilespmem:$0x1F150] =	vst v63  }
0x75: {  	_ =	swait.ge [sflag:s25], $0x3200  }
0x76: {  	s4 =	sadd.s32 s4, s14;
	[sflag:s25] =	ssyncset.done $0x0  }
0x77: {  	s11 =	sadd.s32 $0x1838, s4;
	[sflag:s25] =	ssyncadd.s32 $0xFFFFCE00  }
0x78: {  	[tilespmem:s3], [sflag:$0x4] =	stream.strided.gather [hbm4b:s11+s19], $0x320, s20, s19, $0x38;
	[tilespmem:$0x1F150] =	vst v63  }
0x79: {  	_ =	swait.ge [sflag:s25], $0x320  }
0x7a: {  	[sflag:s25] =	ssyncset.done $0x0  }
0x7b: {  	[sflag:s25] =	ssyncadd.s32 $0xFFFFFCE0  }
0x7c: {  	[tilespmem:s31], [sflag:$0x4] =	stream.linear.gather @!p1 [hbm4b:s11+s30], $0x190, $0x38;
	[tilespmem:$0x1F150] =	vst v63  }
0x7d: {  	_ =	swait.ge @!p1 [sflag:s15], $0x190  }
0x7e: {  	[sflag:s15] =	ssyncset.done @!p1 $0x0  }
0x7f: {  	[sflag:s15] =	ssyncadd.s32 @!p1 $0xFFFFFE70  }
0x80: {  	[tilespmem:s24], [sflag:$0x1] =	stream.indirect.gather [hbm4b:s6+s19], $0x20, s3, s19, $0xb8;
	[tilespmem:$0x1F150] =	vst v63  }
0x81: {  	_ =	swait.ge [sflag:s26], $0x3200  }
0x82: {  	[sflag:s26] =	ssyncset.done $0x0  }
0x83: {  	[sflag:s26] =	ssyncadd.s32 $0xFFFFCE00  }
0x84: {  	[spmem:s1] =	stream.indirect.scatter.add.f32 [tilespmem:s22], [sflag:$0x4], $0x20, s28, s19, $0xb8;
	[tilespmem:$0x1F150] =	vst v63  }
0x85: {  	_ =	swait.ge [sflag:s25], $0x3200  }
0x86: {  	[sflag:s25] =	ssyncset.done $0x0  }
0x87: {  	s4 =	sadd.s32 $0x186A, s4;
	[sflag:s25] =	ssyncadd.s32 $0xFFFFCE00  }
0x88: {  	[tilespmem:s21], [sflag:$0x4] =	stream.strided.gather [hbm4b:s4+s19], $0x320, s20, s19, $0x38;
	[tilespmem:$0x1F150] =	vst v63  }
0x89: {  	_ =	swait.ge [sflag:s25], $0x320  }
.Ltmp3:
0x8a: {  	[sflag:s25] =	ssyncset.done $0x0;
	(pc) =	sbr.rel @p2 .LBB2_7-.Ltmp3, $4  }
0x8b: {  	[sflag:s25] =	ssyncadd.s32 $0xFFFFFCE0  }
0x8c: {  	[tilespmem:s2], [sflag:$0x3] =	stream.linear.gather @!p1 [hbm4b:s4+s30], $0x190, $0x38;
	[tilespmem:$0x1F150] =	vst v63  }
0x8d: {  	_ =	swait.ge @!p1 [sflag:s0], $0x190  }
0x8e: {  	[sflag:s0] =	ssyncset.done @!p1 $0x0  }
0x8f: {  	[sflag:s0] =	ssyncadd.s32 @!p1 $0xFFFFFE70  }
0x90: {  	[tilespmem:s22], [sflag:$0x2] =	stream.indirect.gather [hbm4b:s6+s19], $0x20, s21, s19, $0xb8;
	[tilespmem:$0x1F150] =	vst v63  }
0x91: {  	_ =	swait.ge [sflag:s23], $0x3200  }
0x92: {  	[sflag:s23] =	ssyncset.done $0x0  }
0x93: {  	[sflag:s23] =	ssyncadd.s32 $0xFFFFCE00  }
0x94: {  	[spmem:s1] =	stream.indirect.scatter.add.f32 [tilespmem:s24], [sflag:$0x4], $0x20, s19, s19, $0xb8;
	[tilespmem:$0x1F150] =	vst v63  }
0x95: {  	_ =	swait.ge [sflag:s25], $0x3200  }
0x96: {  	[sflag:s25] =	ssyncset.done $0x0  }
.Ltmp4:
0x97: {  	[sflag:s25] =	ssyncadd.s32 $0xFFFFCE00;
	(pc) =	sbr.rel @p1 .LBB2_11-.Ltmp4, $4  }
0x98: {  	[tilespmem:s3], [sflag:$0x4] =	stream.strided.gather [hbm4b:s13+s19], $0x320, s20, s19, $0x38;
	[tilespmem:$0x1F150] =	vst v63  }
0x99: {  	_ =	swait.ge [sflag:s25], $0x320  }
0x9a: {  	[sflag:s25] =	ssyncset.done $0x0  }
0x9b: {  	s2 =	smov.u32 s6;
	s0 =	rddreg [dreg:$0x5];
	[sflag:s25] =	ssyncadd.s32 $0xFFFFFCE0  }
.Ltmp5:
0x9c: {  	(pc) =	sbr.rel .LBB2_10-.Ltmp5, $3  }
0x9d: {  	_ =	sdelay $0x1  }
0x9e: {  	[tilespmem:s19], [sflag:$0x4] =	stream.linear.gather [hbm4b:s13+s3], $0x190, $0x38;
	[tilespmem:$0x1F150] =	vst v63  }
0x9f: {  	s2 =	smov.u32 s6;
	s0 =	rddreg [dreg:$0x5]  }
.LBB2_2:
0xa0: {  	s0 =	simm.s32 @p1 $0x190;
	s2 =	simm.s32 @p1 $0x0;
	s10 =	simm.s32 @p1 $0x640  }
0xa1: {  	[tilespmem:s10], [sflag:$0x1] =	stream.indirect.gather @p1 [hbm4b:s5+s0], $0x20, s2, s0, $0xb8;
	[tilespmem:$0x1F150] =	vst v63  }
0xa2: {  	s2 =	simm.s32 @p1 $0xC3500;
	s10 =	simm.s32 @p1 $0x320  }
0xa3: {  	[tilespmem:s10], [sflag:$0x3] =	stream.strided.gather @p1 [hbm4b:s9+s0], $0x320, s2, s0, $0x38;
	[tilespmem:$0x1F150] =	vst v63  }
0xa4: {  	s0 =	simm.s32 @p1 $0x3  }
0xa5: {  	_ =	swait.ge @p1 [sflag:s0], $0x320  }
0xa6: {  	s30 =	simm.s32 @!p1 $0x0;
	[sflag:s0] =	ssyncset.done @p1 $0x0  }
0xa7: {  	s31 =	simm.s32 @!p1 $0x190;
	[sflag:s0] =	ssyncadd.s32 @p1 $0xFFFFFCE0;
	s0 =	simm.s32 @!p1 $0x3  }
0xa8: {  	[tilespmem:s31], [sflag:$0x3] =	stream.linear.gather @!p1 [hbm4b:s8+s30], $0x190, $0x38;
	[tilespmem:$0x1F150] =	vst v63  }
0xa9: {  	_ =	swait.ge @!p1 [sflag:s0], $0x190  }
0xaa: {  	[sflag:s0] =	ssyncset.done @!p1 $0x0  }
0xab: {  	s2 =	simm.s32 @!p1 $0x640;
	[sflag:s0] =	ssyncadd.s32 @!p1 $0xFFFFFE70  }
0xac: {  	[tilespmem:s2], [sflag:$0x1] =	stream.indirect.gather @!p1 [hbm4b:s5+s31], $0x20, s30, s31, $0xb8;
	[tilespmem:$0x1F150] =	vst v63  }
0xad: {  	s10 =	simm.s32 @!p1 $0x320;
	s2 =	simm.s32 @!p1 $0xC3500  }
0xae: {  	[tilespmem:s10], [sflag:$0x3] =	stream.strided.gather @!p1 [hbm4b:s9+s31], $0x320, s2, s31, $0x38;
	[tilespmem:$0x1F150] =	vst v63  }
0xaf: {  	_ =	swait.ge @!p1 [sflag:s0], $0x320  }
0xb0: {  	[sflag:s0] =	ssyncset.done @!p1 $0x0  }
0xb1: {  	s2 =	simm.s32 @!p1 $0x4B0;
	[sflag:s0] =	ssyncadd.s32 @!p1 $0xFFFFFCE0  }
0xb2: {  	[tilespmem:s2], [sflag:$0x3] =	stream.linear.gather @!p1 [hbm4b:s9+s30], $0x190, $0x38;
	[tilespmem:$0x1F150] =	vst v63  }
0xb3: {  	_ =	swait.ge @!p1 [sflag:s0], $0x190  }
0xb4: {  	[sflag:s0] =	ssyncset.done @!p1 $0x0  }
0xb5: {  	[sflag:s0] =	ssyncadd.s32 @!p1 $0xFFFFFE70  }
0xb6: {  	[tilespmem:s22], [sflag:$0x2] =	stream.indirect.gather [hbm4b:s5+s19], $0x20, s21, s19, $0xb8;
	[tilespmem:$0x1F150] =	vst v63  }
0xb7: {  	_ =	swait.ge [sflag:s23], $0x3200  }
0xb8: {  	[sflag:s23] =	ssyncset.done $0x0  }
0xb9: {  	[sflag:s23] =	ssyncadd.s32 $0xFFFFCE00  }
0xba: {  	[spmem:s1] =	stream.indirect.scatter.add.f32 [tilespmem:s24], [sflag:$0x4], $0x20, s19, s19, $0xb8;
	[tilespmem:$0x1F150] =	vst v63  }
0xbb: {  	_ =	swait.ge [sflag:s25], $0x3200  }
0xbc: {  	s4 =	sadd.s32 $0xFFFFE82C, s14;
	[sflag:s25] =	ssyncset.done $0x0  }
0xbd: {  	s11 =	sadd.s32 $0x1838, s4;
	[sflag:s25] =	ssyncadd.s32 $0xFFFFCE00  }
0xbe: {  	[tilespmem:s3], [sflag:$0x4] =	stream.strided.gather [hbm4b:s11+s19], $0x320, s20, s19, $0x38;
	[tilespmem:$0x1F150] =	vst v63  }
0xbf: {  	_ =	swait.ge [sflag:s25], $0x320  }
0xc0: {  	[sflag:s25] =	ssyncset.done $0x0  }
0xc1: {  	s15 =	simm.s32 @!p1 $0x4;
	[sflag:s25] =	ssyncadd.s32 $0xFFFFFCE0  }
0xc2: {  	[tilespmem:s31], [sflag:$0x4] =	stream.linear.gather @!p1 [hbm4b:s11+s30], $0x190, $0x38;
	[tilespmem:$0x1F150] =	vst v63  }
0xc3: {  	_ =	swait.ge @!p1 [sflag:s15], $0x190  }
0xc4: {  	[sflag:s15] =	ssyncset.done @!p1 $0x0  }
0xc5: {  	[sflag:s15] =	ssyncadd.s32 @!p1 $0xFFFFFE70  }
0xc6: {  	[tilespmem:s24], [sflag:$0x1] =	stream.indirect.gather [hbm4b:s5+s19], $0x20, s3, s19, $0xb8;
	[tilespmem:$0x1F150] =	vst v63  }
0xc7: {  	_ =	swait.ge [sflag:s26], $0x3200  }
0xc8: {  	[sflag:s26] =	ssyncset.done $0x0  }
0xc9: {  	[sflag:s26] =	ssyncadd.s32 $0xFFFFCE00  }
0xca: {  	[spmem:s1] =	stream.indirect.scatter.add.f32 [tilespmem:s22], [sflag:$0x4], $0x20, s28, s19, $0xb8;
	[tilespmem:$0x1F150] =	vst v63  }
0xcb: {  	_ =	swait.ge [sflag:s25], $0x3200  }
0xcc: {  	[sflag:s25] =	ssyncset.done $0x0  }
0xcd: {  	s10 =	sadd.s32 $0x186A, s4;
	[sflag:s25] =	ssyncadd.s32 $0xFFFFCE00  }
0xce: {  	[tilespmem:s21], [sflag:$0x4] =	stream.strided.gather [hbm4b:s10+s19], $0x320, s20, s19, $0x38;
	[tilespmem:$0x1F150] =	vst v63  }
0xcf: {  	_ =	swait.ge [sflag:s25], $0x320  }
0xd0: {  	[sflag:s25] =	ssyncset.done $0x0  }
0xd1: {  	[sflag:s25] =	ssyncadd.s32 $0xFFFFFCE0  }
0xd2: {  	[tilespmem:s2], [sflag:$0x3] =	stream.linear.gather @!p1 [hbm4b:s10+s30], $0x190, $0x38;
	[tilespmem:$0x1F150] =	vst v63  }
0xd3: {  	_ =	swait.ge @!p1 [sflag:s0], $0x190  }
0xd4: {  	s10 =	simm.s32 $0xFFFFE890;
	[sflag:s0] =	ssyncset.done @!p1 $0x0  }
.LBB2_3:
0xd5: {  	[sflag:s0] =	ssyncadd.s32 @!p1 $0xFFFFFE70;
	s11 =	smov.u32 s10;
	s10 =	sadd.s32 $0x64, s10  }
0xd6: {  	[tilespmem:s22], [sflag:$0x2] =	stream.indirect.gather [hbm4b:s5+s19], $0x20, s21, s19, $0xb8;
	[tilespmem:$0x1F150] =	vst v63  }
0xd7: {  	p2 =	sne.s32 s10, $0x0;
	_ =	swait.ge [sflag:s23], $0x3200  }
0xd8: {  	[sflag:s23] =	ssyncset.done $0x0  }
0xd9: {  	[sflag:s23] =	ssyncadd.s32 $0xFFFFCE00  }
0xda: {  	[spmem:s1] =	stream.indirect.scatter.add.f32 [tilespmem:s24], [sflag:$0x4], $0x20, s19, s19, $0xb8;
	[tilespmem:$0x1F150] =	vst v63  }
0xdb: {  	_ =	swait.ge [sflag:s25], $0x3200  }
0xdc: {  	s11 =	sadd.s32 s11, s14;
	[sflag:s25] =	ssyncset.done $0x0  }
0xdd: {  	s4 =	sadd.s32 $0x1838, s11;
	[sflag:s25] =	ssyncadd.s32 $0xFFFFCE00  }
0xde: {  	[tilespmem:s3], [sflag:$0x4] =	stream.strided.gather [hbm4b:s4+s19], $0x320, s20, s19, $0x38;
	[tilespmem:$0x1F150] =	vst v63  }
0xdf: {  	_ =	swait.ge [sflag:s25], $0x320  }
0xe0: {  	[sflag:s25] =	ssyncset.done $0x0  }
0xe1: {  	[sflag:s25] =	ssyncadd.s32 $0xFFFFFCE0  }
0xe2: {  	[tilespmem:s31], [sflag:$0x4] =	stream.linear.gather @!p1 [hbm4b:s4+s30], $0x190, $0x38;
	[tilespmem:$0x1F150] =	vst v63  }
0xe3: {  	_ =	swait.ge @!p1 [sflag:s15], $0x190  }
0xe4: {  	[sflag:s15] =	ssyncset.done @!p1 $0x0  }
0xe5: {  	[sflag:s15] =	ssyncadd.s32 @!p1 $0xFFFFFE70  }
0xe6: {  	[tilespmem:s24], [sflag:$0x1] =	stream.indirect.gather [hbm4b:s5+s19], $0x20, s3, s19, $0xb8;
	[tilespmem:$0x1F150] =	vst v63  }
0xe7: {  	_ =	swait.ge [sflag:s26], $0x3200  }
0xe8: {  	[sflag:s26] =	ssyncset.done $0x0  }
0xe9: {  	[sflag:s26] =	ssyncadd.s32 $0xFFFFCE00  }
0xea: {  	[spmem:s1] =	stream.indirect.scatter.add.f32 [tilespmem:s22], [sflag:$0x4], $0x20, s28, s19, $0xb8;
	[tilespmem:$0x1F150] =	vst v63  }
0xeb: {  	_ =	swait.ge [sflag:s25], $0x3200  }
0xec: {  	[sflag:s25] =	ssyncset.done $0x0  }
0xed: {  	s4 =	sadd.s32 $0x186A, s11;
	[sflag:s25] =	ssyncadd.s32 $0xFFFFCE00  }
0xee: {  	[tilespmem:s21], [sflag:$0x4] =	stream.strided.gather [hbm4b:s4+s19], $0x320, s20, s19, $0x38;
	[tilespmem:$0x1F150] =	vst v63  }
0xef: {  	_ =	swait.ge [sflag:s25], $0x320  }
.Ltmp6:
0xf0: {  	[sflag:s25] =	ssyncset.done $0x0;
	(pc) =	sbr.rel @p2 .LBB2_3-.Ltmp6, $4  }
0xf1: {  	[sflag:s25] =	ssyncadd.s32 $0xFFFFFCE0  }
0xf2: {  	[tilespmem:s2], [sflag:$0x3] =	stream.linear.gather @!p1 [hbm4b:s4+s30], $0x190, $0x38;
	[tilespmem:$0x1F150] =	vst v63  }
0xf3: {  	_ =	swait.ge @!p1 [sflag:s0], $0x190  }
0xf4: {  	[sflag:s0] =	ssyncset.done @!p1 $0x0  }
0xf5: {  	[sflag:s0] =	ssyncadd.s32 @!p1 $0xFFFFFE70  }
0xf6: {  	[tilespmem:s22], [sflag:$0x2] =	stream.indirect.gather [hbm4b:s5+s19], $0x20, s21, s19, $0xb8;
	[tilespmem:$0x1F150] =	vst v63  }
0xf7: {  	_ =	swait.ge [sflag:s23], $0x3200  }
0xf8: {  	[sflag:s23] =	ssyncset.done $0x0  }
0xf9: {  	[sflag:s23] =	ssyncadd.s32 $0xFFFFCE00  }
0xfa: {  	[spmem:s1] =	stream.indirect.scatter.add.f32 [tilespmem:s24], [sflag:$0x4], $0x20, s19, s19, $0xb8;
	[tilespmem:$0x1F150] =	vst v63  }
0xfb: {  	_ =	swait.ge [sflag:s25], $0x3200  }
0xfc: {  	[sflag:s25] =	ssyncset.done $0x0  }
.Ltmp7:
0xfd: {  	[sflag:s25] =	ssyncadd.s32 $0xFFFFCE00;
	(pc) =	sbr.rel @p1 .LBB2_11-.Ltmp7, $4  }
0xfe: {  	[tilespmem:s3], [sflag:$0x4] =	stream.strided.gather [hbm4b:s13+s19], $0x320, s20, s19, $0x38;
	[tilespmem:$0x1F150] =	vst v63  }
0xff: {  	_ =	swait.ge [sflag:s25], $0x320  }
0x100: {  	[sflag:s25] =	ssyncset.done $0x0  }
0x101: {  	s2 =	smov.u32 s5;
	s0 =	rddreg [dreg:$0x4];
	[sflag:s25] =	ssyncadd.s32 $0xFFFFFCE0  }
.Ltmp8:
0x102: {  	(pc) =	sbr.rel .LBB2_10-.Ltmp8, $3  }
0x103: {  	_ =	sdelay $0x1  }
0x104: {  	[tilespmem:s19], [sflag:$0x4] =	stream.linear.gather [hbm4b:s13+s3], $0x190, $0x38;
	[tilespmem:$0x1F150] =	vst v63  }
0x105: {  	s2 =	smov.u32 s5;
	s0 =	rddreg [dreg:$0x4]  }
.LBB2_12:
0x106: {  	_ =	sfence.sel $0x180000  }
0x107: {  	[bflag:$0x0] =	sbarrier.arrive $0xFFFF  }
0x108: {  	_ =	strace $0x90000047  }
0x109: {  	s0 =	stileid.u32;
	[bflag:$0x2] =	sbarrier.arrive $0xFFFF  }
0x10a: {  	p0 =	sne.s32 s0, $0x0;
	s0 =	rddreg [dreg:$0x2]  }
0x10b: {  	s0 =	sadd.s32 @!p0 $0x100000, s0  }
0x10c: {  	[sflag:s0] =	ssyncadd.tile.s32 @!p0 $0x1;
	_ =	shalt  }
.Lfunc_end2:
_tile_overlayer_lowered:
.L_overlay_start_2:
0x10d: {  	(tag) =	ssettag $0x2  }
0x10e: {  	s0 =	rddreg [dreg:$0x0];
	s2 =	stileid.u32  }
0x10f: {  	s1 =	rddreg [dreg:$0x1];
	p0 =	sne.s32 s2, $0x0  }
0x110: {  	s3 =	rddreg [dreg:$0x2];
	[bflag:$0x3] =	sbarrier.arrive $0xFFFF;
	s2 =	simm.s32 @!p0 $0x1C03  }
0x111: {  	[timem:s3], [sflag:s2] =	dma.local @!p0 [hbm:s0], s1  }
0x112: {  	s0 =	simm.s32 @!p0 $0x3  }
0x113: {  	_ =	swait.ge @!p0 [sflag:s0], s1  }
0x114: {  	s1 =	ssub.s32 @!p0 $0x0, s1;
	[sflag:s0] =	ssyncset.done @!p0 $0x0  }
0x115: {  	[sflag:s0] =	ssyncadd.s32 @!p0 s1  }
0x116: {  	[bflag:$0x3] =	sbarrier.arrive $0xFFFF  }
0x117: {  	_ =	shalt  }

</sc_bundles>
